<compile_context>
chip_gen: v7x
topology: tpu7x:2x2x1
jax: 0.10.2.dev20260603
libtpu: 0.0.44.dev20260713+nightly
codegen_flags: <defaults>
</compile_context>

<pallas_src>
import functools

import jax
import jax.numpy as jnp
from jax import lax
from jax.experimental import pallas as pl
from jax.experimental.pallas import tpu as pltpu
from jax.experimental.pallas import tpu_sc as plsc

_NC = 2
_NS = 16
_NW = _NC * _NS
_CH = 64
_AUG = 16


def _edge_pass(xw, a_src, a_dst, src, dst, n_real_edges):
    n_pad, c_aug = xw.shape
    e_pad = src.shape[0]
    ept = e_pad // _NW
    nch = ept // _CH
    rps = n_pad // _NS
    mesh = plsc.VectorSubcoreMesh(core_axis_name="c", subcore_axis_name="s")

    @functools.partial(
        pl.kernel,
        mesh=mesh,
        compiler_params=pltpu.CompilerParams(
            needs_layout_passes=False, use_tc_tiling_on_sc=False),
        out_type=jax.ShapeDtypeStruct((_NC, n_pad, c_aug), jnp.float32),
        scratch_types=[
            pltpu.VMEM((n_pad,), jnp.float32),
            pltpu.VMEM((n_pad,), jnp.float32),
            pltpu.VMEM((_CH,), jnp.int32),
            pltpu.VMEM((_CH,), jnp.int32),
            pltpu.VMEM((_CH, c_aug), jnp.float32),
            pltpu.VMEM((_CH,), jnp.float32),
            pltpu.VMEM_SHARED((n_pad, c_aug), jnp.float32),
            pltpu.SemaphoreType.DMA,
        ],
    )
    def k(xw_h, as_h, ad_h, src_h, dst_h, acc_o,
          as_v, ad_v, src_v, dst_v, rows_v, w_v, acc_sp, sem):
        cid = lax.axis_index("c")
        sid = lax.axis_index("s")
        wid = cid * _NS + sid
        lane = lax.iota(jnp.int32, 16)
        zl = jnp.zeros((16,), jnp.float32)

        pltpu.sync_copy(as_h, as_v)
        pltpu.sync_copy(ad_h, ad_v)

        def zrow(i, _):
            for kk in range(c_aug // 16):
                rows_v[i, pl.ds(16 * kk, 16)] = zl
            return 0
        lax.fori_loop(0, _CH, zrow, 0)
        rbase = sid * rps
        for j in range(rps // _CH):
            pltpu.sync_copy(rows_v, acc_sp.at[pl.ds(rbase + j * _CH, _CH)])
        plsc.subcore_barrier()

        def chunk(cix, _):
            base = wid * ept + cix * _CH
            pltpu.sync_copy(src_h.at[pl.ds(base, _CH)], src_v)
            pltpu.sync_copy(dst_h.at[pl.ds(base, _CH)], dst_v)
            cp = pltpu.async_copy(xw_h.at[src_v], rows_v, sem)
            for j in range(_CH // 16):
                s16 = src_v[pl.ds(16 * j, 16)]
                d16 = dst_v[pl.ds(16 * j, 16)]
                a = plsc.load_gather(as_v, [s16]) + plsc.load_gather(ad_v, [d16])
                a = jnp.maximum(a, 0.2 * a)
                w = jnp.exp(a)
                eid = base + 16 * j + lane
                w = jnp.where(eid < n_real_edges, w, 0.0)
                w_v[pl.ds(16 * j, 16)] = w
            cp.wait()
            def scale(i, _):
                ws = plsc.load_gather(w_v, [jnp.full((16,), i, jnp.int32)])
                for kk in range(c_aug // 16):
                    rows_v[i, pl.ds(16 * kk, 16)] = (
                        rows_v[i, pl.ds(16 * kk, 16)] * ws)
                return 0
            lax.fori_loop(0, _CH, scale, 0)
            pltpu.sync_copy(rows_v, acc_sp.at[dst_v], add=True)
            return 0
        lax.fori_loop(0, nch, chunk, 0)
        plsc.subcore_barrier()

        pltpu.sync_copy(acc_sp.at[pl.ds(rbase, rps)],
                        acc_o.at[cid, pl.ds(rbase, rps)])

    return k(xw, a_src, a_dst, src, dst)


def _dense1(x, W1a, atts, attd):
    n_pad, f_in = x.shape
    ca = W1a.shape[1]
    h = ca - _AUG
    br = 1024

    def body(x_r, w_r, s_r, d_r, xw_r, ws_r, as_r, ad_r):
        xw = jnp.dot(x_r[...], w_r[...], preferred_element_type=jnp.float32)
        col = lax.broadcasted_iota(jnp.int32, (br, ca), 1)
        xw = xw + jnp.where(col == h, 1.0, 0.0)
        xw_r[...] = xw
        a_s = jnp.sum(xw * s_r[...], axis=1, keepdims=True)
        a_d = jnp.sum(xw * d_r[...], axis=1, keepdims=True)
        as_r[...] = jnp.broadcast_to(a_s, (br, _AUG))
        ad_r[...] = jnp.broadcast_to(a_d, (br, _AUG))
        a = a_s + a_d
        a = jnp.maximum(a, 0.2 * a)
        ws_r[...] = jnp.broadcast_to(jnp.exp(a), (br, _AUG))

    return pl.pallas_call(
        body,
        grid=(n_pad // br,),
        in_specs=[
            pl.BlockSpec((br, f_in), lambda i: (i, 0)),
            pl.BlockSpec((f_in, ca), lambda i: (0, 0)),
            pl.BlockSpec((1, ca), lambda i: (0, 0)),
            pl.BlockSpec((1, ca), lambda i: (0, 0)),
        ],
        out_specs=[pl.BlockSpec((br, ca), lambda i: (i, 0))]
        + [pl.BlockSpec((br, _AUG), lambda i: (i, 0))] * 3,
        out_shape=[jax.ShapeDtypeStruct((n_pad, ca), jnp.float32)]
        + [jax.ShapeDtypeStruct((n_pad, _AUG), jnp.float32)] * 3,
    )(x, W1a, atts, attd)


def _dense2(acc_p, ws1, xw1, b1, W2a, atts2, attd2):
    n_pad, ca1 = xw1.shape
    h1 = ca1 - _AUG
    ca2 = W2a.shape[1]
    c2 = ca2 - _AUG
    br = 1024

    def body(ac_r, ws_r, xw_r, b_r, w2_r, s2_r, d2_r,
             xw2_r, ws2_r, as2_r, ad2_r):
        col1 = lax.broadcasted_iota(jnp.int32, (br, ca1), 1)
        sel1 = jnp.where(col1 == h1, 1.0, 0.0)
        num = ac_r[0] + ac_r[1] + ws_r[:, 0:1] * xw_r[...]
        den = jnp.sum(num * sel1, axis=1, keepdims=True) + 1e-16
        hid = jnp.maximum(num[:, :h1] / den + b_r[...], 0.0)
        xw2 = jnp.dot(hid, w2_r[...], preferred_element_type=jnp.float32)
        col2 = lax.broadcasted_iota(jnp.int32, (br, ca2), 1)
        xw2 = xw2 + jnp.where(col2 == c2, 1.0, 0.0)
        xw2_r[...] = xw2
        a_s = jnp.sum(xw2 * s2_r[...], axis=1, keepdims=True)
        a_d = jnp.sum(xw2 * d2_r[...], axis=1, keepdims=True)
        as2_r[...] = jnp.broadcast_to(a_s, (br, _AUG))
        ad2_r[...] = jnp.broadcast_to(a_d, (br, _AUG))
        a = a_s + a_d
        a = jnp.maximum(a, 0.2 * a)
        ws2_r[...] = jnp.broadcast_to(jnp.exp(a), (br, _AUG))

    return pl.pallas_call(
        body,
        grid=(n_pad // br,),
        in_specs=[
            pl.BlockSpec((2, br, ca1), lambda i: (0, i, 0)),
            pl.BlockSpec((br, _AUG), lambda i: (i, 0)),
            pl.BlockSpec((br, ca1), lambda i: (i, 0)),
            pl.BlockSpec((1, h1), lambda i: (0, 0)),
            pl.BlockSpec((h1, ca2), lambda i: (0, 0)),
            pl.BlockSpec((1, ca2), lambda i: (0, 0)),
            pl.BlockSpec((1, ca2), lambda i: (0, 0)),
        ],
        out_specs=[pl.BlockSpec((br, ca2), lambda i: (i, 0))]
        + [pl.BlockSpec((br, _AUG), lambda i: (i, 0))] * 3,
        out_shape=[jax.ShapeDtypeStruct((n_pad, ca2), jnp.float32)]
        + [jax.ShapeDtypeStruct((n_pad, _AUG), jnp.float32)] * 3,
    )(acc_p, ws1, xw1, b1, W2a, atts2, attd2)


def _dense3(acc_p, ws2, xw2, b2):
    n_pad, ca2 = xw2.shape
    c2 = ca2 - _AUG
    br = 1024

    def body(ac_r, ws_r, xw_r, b_r, o_r):
        col2 = lax.broadcasted_iota(jnp.int32, (br, ca2), 1)
        sel2 = jnp.where(col2 == c2, 1.0, 0.0)
        num = ac_r[0] + ac_r[1] + ws_r[:, 0:1] * xw_r[...]
        den = jnp.sum(num * sel2, axis=1, keepdims=True) + 1e-16
        o_r[...] = num[:, :c2] / den + b_r[...]

    return pl.pallas_call(
        body,
        grid=(n_pad // br,),
        in_specs=[
            pl.BlockSpec((2, br, ca2), lambda i: (0, i, 0)),
            pl.BlockSpec((br, _AUG), lambda i: (i, 0)),
            pl.BlockSpec((br, ca2), lambda i: (i, 0)),
            pl.BlockSpec((1, c2), lambda i: (0, 0)),
        ],
        out_specs=pl.BlockSpec((br, c2), lambda i: (i, 0)),
        out_shape=jax.ShapeDtypeStruct((n_pad, c2), jnp.float32),
    )(acc_p, ws2, xw2, b2)


def kernel(x, edge_index, W1, att_src1, att_dst1, b1, W2, att_src2, att_dst2, b2):
    n, f_in = x.shape
    e = edge_index.shape[1]
    n_pad = ((n + 2047) // 2048) * 2048
    e_pad = ((e + _NW * _CH - 1) // (_NW * _CH)) * (_NW * _CH)

    xp = jnp.pad(x, ((0, n_pad - n), (0, 0)))
    src = jnp.pad(edge_index[0], (0, e_pad - e))
    dst = jnp.pad(edge_index[1], (0, e_pad - e))

    W1a = jnp.pad(W1, ((0, 0), (0, _AUG)))
    atts1 = jnp.pad(att_src1.reshape(1, -1), ((0, 0), (0, _AUG)))
    attd1 = jnp.pad(att_dst1.reshape(1, -1), ((0, 0), (0, _AUG)))
    W2a = jnp.pad(W2, ((0, 0), (0, _AUG)))
    atts2 = jnp.pad(att_src2.reshape(1, -1), ((0, 0), (0, _AUG)))
    attd2 = jnp.pad(att_dst2.reshape(1, -1), ((0, 0), (0, _AUG)))

    xw1, ws1, as1, ad1 = _dense1(xp, W1a, atts1, attd1)
    acc1 = _edge_pass(xw1, as1[:, 0], ad1[:, 0], src, dst, e)
    xw2, ws2, as2, ad2 = _dense2(acc1, ws1, xw1, b1.reshape(1, -1),
                                 W2a, atts2, attd2)
    acc2 = _edge_pass(xw2, as2[:, 0], ad2[:, 0], src, dst, e)
    out = _dense3(acc2, ws2, xw2, b2.reshape(1, -1))
    return out[:n]

# --- scband reference (transcript-rebuilt; emitter-appended) ---
"""Pipeline reference for scband-gat-net-12455405159160 (READ-ONLY COPY).

The authoritative reference and input builder live on the scoring server;
editing this copy changes nothing except your own understanding.
"""

import jax, jax.numpy as jnp
import numpy as np

N = 10000
E = 320000
F_IN = 128
HID = 128
CLS = 64
HEADS = 1


def setup_inputs(seed: int = 0) -> dict:
    key = jax.random.key(seed)
    ks = jax.random.split(key, 10)
    x = jax.random.normal(ks[0], (N, F_IN), dtype=jnp.float32)
    edge_index = jax.random.randint(ks[1], (2, E), 0, N, dtype=jnp.int32)
    s1 = 1.0 / np.sqrt(F_IN)
    W1 = jax.random.normal(ks[2], (F_IN, HEADS * HID), dtype=jnp.float32) * s1
    att_src1 = jax.random.normal(ks[3], (HEADS, HID), dtype=jnp.float32) * (1.0 / np.sqrt(HID))
    att_dst1 = jax.random.normal(ks[4], (HEADS, HID), dtype=jnp.float32) * (1.0 / np.sqrt(HID))
    b1 = jnp.zeros((HEADS * HID,), dtype=jnp.float32)
    s2 = 1.0 / np.sqrt(HEADS * HID)
    W2 = jax.random.normal(ks[5], (HEADS * HID, CLS), dtype=jnp.float32) * s2
    att_src2 = jax.random.normal(ks[6], (1, CLS), dtype=jnp.float32) * (1.0 / np.sqrt(CLS))
    att_dst2 = jax.random.normal(ks[7], (1, CLS), dtype=jnp.float32) * (1.0 / np.sqrt(CLS))
    b2 = jnp.zeros((CLS,), dtype=jnp.float32)
    return {"x": x, "edge_index": edge_index, "W1": W1, "att_src1": att_src1,
            "att_dst1": att_dst1, "b1": b1, "W2": W2, "att_src2": att_src2,
            "att_dst2": att_dst2, "b2": b2}


def _gat_layer(x, edge_index, W, att_src, att_dst, bias, heads, C, negative_slope=0.2):
    n = x.shape[0]
    # PyG GATConv adds self-loops by default
    loops = jnp.arange(n, dtype=edge_index.dtype)
    ei = jnp.concatenate([edge_index, jnp.stack([loops, loops])], axis=1)
    src, dst = ei[0], ei[1]
    xw = (x @ W).reshape(n, heads, C)
    alpha_src = (xw * att_src[None, :, :]).sum(-1)  # [n, heads]
    alpha_dst = (xw * att_dst[None, :, :]).sum(-1)  # [n, heads]
    alpha = alpha_src[src] + alpha_dst[dst]          # [e, heads] gather
    alpha = jax.nn.leaky_relu(alpha, negative_slope)
    amax = jax.ops.segment_max(alpha, dst, num_segments=n)
    amax = jax.lax.stop_gradient(amax)
    alpha = jnp.exp(alpha - amax[dst])
    asum = jax.ops.segment_sum(alpha, dst, num_segments=n)
    alpha = alpha / (asum[dst] + 1e-16)
    msgs = xw[src] * alpha[:, :, None]               # [e, heads, C] gather
    out = jax.ops.segment_sum(msgs, dst, num_segments=n)  # scatter-add
    out = out.reshape(n, heads * C) + bias
    return out


def reference(x, edge_index, W1, att_src1, att_dst1, b1, W2, att_src2, att_dst2, b2):
    h = _gat_layer(x, edge_index, W1, att_src1, att_dst1, b1, HEADS, HID)
    h = jax.nn.relu(h)
    # F.dropout with training=False is identity (eval mode)
    out = _gat_layer(h, edge_index, W2, att_src2, att_dst2, b2, 1, CLS)
    return out

if __name__ == "__main__":
    import jax
    _d = setup_inputs()
    print(jax.jit(kernel)(*tuple(_d.values())))

</pallas_src>

<mosaic_0001>
#map = affine_map<(d0, d1) -> (0, 0)>
#map1 = affine_map<(d0, d1) -> (0)>
#map2 = affine_map<(d0, d1) -> (0, 0, 0)>
module attributes {stable_mosaic.version = 14 : i64} {
  func.func @k(%arg0: i32, %arg1: i32, %arg2: memref<10240x144xf32, #tpu.memory_space<hbm>>, %arg3: memref<10240xf32, #tpu.memory_space<hbm>>, %arg4: memref<10240xf32, #tpu.memory_space<hbm>>, %arg5: memref<321536xi32, #tpu.memory_space<hbm>>, %arg6: memref<321536xi32, #tpu.memory_space<hbm>>, %arg7: memref<2x10240x144xf32, #tpu.memory_space<hbm>>, %arg8: memref<10240xf32, #tpu.memory_space<vmem>>, %arg9: memref<10240xf32, #tpu.memory_space<vmem>>, %arg10: memref<64xi32, #tpu.memory_space<vmem>>, %arg11: memref<64xi32, #tpu.memory_space<vmem>>, %arg12: memref<64x144xf32, #tpu.memory_space<vmem>>, %arg13: memref<64xf32, #tpu.memory_space<vmem>>, %arg14: memref<10240x144xf32, #tpu.memory_space<vmem_shared>>, %arg15: memref<!tpu.dma_semaphore, #tpu.memory_space<semaphore_mem>>) attributes {dimension_semantics = [#tpu.dimension_semantics<core_parallel>, #tpu.dimension_semantics<subcore_parallel>], iteration_bounds = array<i64: 2, 16>, scalar_prefetch = 0 : i64, scratch_operands = 8 : i64, tpu.core_type = #tpu.core_type<sc_vector_subcore>, window_params = [{transform_indices = #map}, {transform_indices = #map1}, {transform_indices = #map1}, {transform_indices = #map1}, {transform_indices = #map1}, {transform_indices = #map2}]} {
    %mul3A = arith.constant 16 : i32
    %mul3A_0 = arith.muli %arg0, %mul3A : i32
    %add3A = arith.addi %mul3A_0, %arg1 : i32
    %iota3A = tpu.iota {dimensions = array<i32: 0>} : vector<16xi32>
    %broadcast_in_dim3A = arith.constant 0.000000e+00 : f32
    %broadcast_in_dim3A_1 = vector.broadcast %broadcast_in_dim3A : f32 to vector<16xf32>
    "tpu.region"() ({
      %run_scoped3A = tpu.sem_alloc : memref<!tpu.dma_semaphore, #tpu.memory_space<semaphore_mem>>
      tpu.enqueue_dma source(%arg3 : memref<10240xf32, #tpu.memory_space<hbm>>) target(%arg8 : memref<10240xf32, #tpu.memory_space<vmem>>) target_semaphore(%run_scoped3A : memref<!tpu.dma_semaphore, #tpu.memory_space<semaphore_mem>>)
      tpu.wait_dma2 semaphore(%run_scoped3A : memref<!tpu.dma_semaphore, #tpu.memory_space<semaphore_mem>>) src(%arg3 : memref<10240xf32, #tpu.memory_space<hbm>>) dst(%arg8 : memref<10240xf32, #tpu.memory_space<vmem>>)
      tpu.yield
    }) : () -> ()
    "tpu.region"() ({
      %run_scoped3A = tpu.sem_alloc : memref<!tpu.dma_semaphore, #tpu.memory_space<semaphore_mem>>
      tpu.enqueue_dma source(%arg4 : memref<10240xf32, #tpu.memory_space<hbm>>) target(%arg9 : memref<10240xf32, #tpu.memory_space<vmem>>) target_semaphore(%run_scoped3A : memref<!tpu.dma_semaphore, #tpu.memory_space<semaphore_mem>>)
      tpu.wait_dma2 semaphore(%run_scoped3A : memref<!tpu.dma_semaphore, #tpu.memory_space<semaphore_mem>>) src(%arg4 : memref<10240xf32, #tpu.memory_space<hbm>>) dst(%arg9 : memref<10240xf32, #tpu.memory_space<vmem>>)
      tpu.yield
    }) : () -> ()
    %scan3A = arith.constant 0 : i32
    %scan3A_2 = arith.constant 0 : i32
    %scan3A_3 = arith.constant 64 : i32
    %scan3A_4 = arith.addi %scan3A_2, %scan3A_3 : i32
    %scan3A_5 = arith.constant 1 : i32
    %scan3A_6 = scf.for %scan3A_38 = %scan3A_2 to %scan3A_4 step %scan3A_5 iter_args(%scan3A_39 = %scan3A) -> (i32)  : i32 {
      %swap3A = arith.index_cast %scan3A_38 : i32 to index
      %swap3A_40 = arith.constant 0 : index
      %swap3A_41 = tpu.vector_load %arg12[%swap3A, %swap3A_40] {strides = array<i32>} : memref<64x144xf32, #tpu.memory_space<vmem>>, vector<16xf32>,
      tpu.vector_store %arg12[%swap3A, %swap3A_40], %broadcast_in_dim3A_1 {strides = array<i32>} : memref<64x144xf32, #tpu.memory_space<vmem>>, vector<16xf32>,
      %swap3A_42 = arith.index_cast %scan3A_38 : i32 to index
      %swap3A_43 = arith.constant 16 : index
      %swap3A_44 = tpu.vector_load %arg12[%swap3A_42, %swap3A_43] {strides = array<i32>} : memref<64x144xf32, #tpu.memory_space<vmem>>, vector<16xf32>,
      tpu.vector_store %arg12[%swap3A_42, %swap3A_43], %broadcast_in_dim3A_1 {strides = array<i32>} : memref<64x144xf32, #tpu.memory_space<vmem>>, vector<16xf32>,
      %swap3A_45 = arith.index_cast %scan3A_38 : i32 to index
      %swap3A_46 = arith.constant 32 : index
      %swap3A_47 = tpu.vector_load %arg12[%swap3A_45, %swap3A_46] {strides = array<i32>} : memref<64x144xf32, #tpu.memory_space<vmem>>, vector<16xf32>,
      tpu.vector_store %arg12[%swap3A_45, %swap3A_46], %broadcast_in_dim3A_1 {strides = array<i32>} : memref<64x144xf32, #tpu.memory_space<vmem>>, vector<16xf32>,
      %swap3A_48 = arith.index_cast %scan3A_38 : i32 to index
      %swap3A_49 = arith.constant 48 : index
      %swap3A_50 = tpu.vector_load %arg12[%swap3A_48, %swap3A_49] {strides = array<i32>} : memref<64x144xf32, #tpu.memory_space<vmem>>, vector<16xf32>,
      tpu.vector_store %arg12[%swap3A_48, %swap3A_49], %broadcast_in_dim3A_1 {strides = array<i32>} : memref<64x144xf32, #tpu.memory_space<vmem>>, vector<16xf32>,
      %swap3A_51 = arith.index_cast %scan3A_38 : i32 to index
      %swap3A_52 = arith.constant 64 : index
      %swap3A_53 = tpu.vector_load %arg12[%swap3A_51, %swap3A_52] {strides = array<i32>} : memref<64x144xf32, #tpu.memory_space<vmem>>, vector<16xf32>,
      tpu.vector_store %arg12[%swap3A_51, %swap3A_52], %broadcast_in_dim3A_1 {strides = array<i32>} : memref<64x144xf32, #tpu.memory_space<vmem>>, vector<16xf32>,
      %swap3A_54 = arith.index_cast %scan3A_38 : i32 to index
      %swap3A_55 = arith.constant 80 : index
      %swap3A_56 = tpu.vector_load %arg12[%swap3A_54, %swap3A_55] {strides = array<i32>} : memref<64x144xf32, #tpu.memory_space<vmem>>, vector<16xf32>,
      tpu.vector_store %arg12[%swap3A_54, %swap3A_55], %broadcast_in_dim3A_1 {strides = array<i32>} : memref<64x144xf32, #tpu.memory_space<vmem>>, vector<16xf32>,
      %swap3A_57 = arith.index_cast %scan3A_38 : i32 to index
      %swap3A_58 = arith.constant 96 : index
      %swap3A_59 = tpu.vector_load %arg12[%swap3A_57, %swap3A_58] {strides = array<i32>} : memref<64x144xf32, #tpu.memory_space<vmem>>, vector<16xf32>,
      tpu.vector_store %arg12[%swap3A_57, %swap3A_58], %broadcast_in_dim3A_1 {strides = array<i32>} : memref<64x144xf32, #tpu.memory_space<vmem>>, vector<16xf32>,
      %swap3A_60 = arith.index_cast %scan3A_38 : i32 to index
      %swap3A_61 = arith.constant 112 : index
      %swap3A_62 = tpu.vector_load %arg12[%swap3A_60, %swap3A_61] {strides = array<i32>} : memref<64x144xf32, #tpu.memory_space<vmem>>, vector<16xf32>,
      tpu.vector_store %arg12[%swap3A_60, %swap3A_61], %broadcast_in_dim3A_1 {strides = array<i32>} : memref<64x144xf32, #tpu.memory_space<vmem>>, vector<16xf32>,
      %swap3A_63 = arith.index_cast %scan3A_38 : i32 to index
      %swap3A_64 = arith.constant 128 : index
      %swap3A_65 = tpu.vector_load %arg12[%swap3A_63, %swap3A_64] {strides = array<i32>} : memref<64x144xf32, #tpu.memory_space<vmem>>, vector<16xf32>,
      tpu.vector_store %arg12[%swap3A_63, %swap3A_64], %broadcast_in_dim3A_1 {strides = array<i32>} : memref<64x144xf32, #tpu.memory_space<vmem>>, vector<16xf32>,
      %scan3A_66 = arith.constant 0 : i32
      scf.yield %scan3A_66 : i32
    }
    %scan3A_7 = arith.constant 64 : i32
    %mul3A_8 = arith.constant 640 : i32
    %mul3A_9 = arith.muli %arg1, %mul3A_8 : i32
    %add3A_10 = arith.constant 0 : i32
    %add3A_11 = arith.addi %mul3A_9, %add3A_10 : i32
    "tpu.region"() ({
      %run_scoped3A = tpu.sem_alloc : memref<!tpu.dma_semaphore, #tpu.memory_space<semaphore_mem>>
      %dma_start3A = arith.constant 0 : i32
      %dma_start3A_38 = tpu.memref_slice %arg14[%add3A_11, %dma_start3A] : memref<10240x144xf32, #tpu.memory_space<vmem_shared>> -> memref<64x144xf32, #tpu.memory_space<vmem_shared>>
      %dma_start3A_39 = arith.constant 0 : i32
      %dma_start3A_40 = tpu.memref_slice %arg14[%add3A_11, %dma_start3A_39] : memref<10240x144xf32, #tpu.memory_space<vmem_shared>> -> memref<64x144xf32, #tpu.memory_space<vmem_shared>>
      tpu.enqueue_dma source(%arg12 : memref<64x144xf32, #tpu.memory_space<vmem>>) target(%dma_start3A_40 : memref<64x144xf32, #tpu.memory_space<vmem_shared>>) target_semaphore(%run_scoped3A : memref<!tpu.dma_semaphore, #tpu.memory_space<semaphore_mem>>)
      %dma_wait3A = arith.constant 0 : i32
      %dma_wait3A_41 = tpu.memref_slice %arg14[%add3A_11, %dma_wait3A] : memref<10240x144xf32, #tpu.memory_space<vmem_shared>> -> memref<64x144xf32, #tpu.memory_space<vmem_shared>>
      %dma_wait3A_42 = arith.constant 0 : i32
      %dma_wait3A_43 = tpu.memref_slice %arg14[%add3A_11, %dma_wait3A_42] : memref<10240x144xf32, #tpu.memory_space<vmem_shared>> -> memref<64x144xf32, #tpu.memory_space<vmem_shared>>
      tpu.wait_dma2 semaphore(%run_scoped3A : memref<!tpu.dma_semaphore, #tpu.memory_space<semaphore_mem>>) src(%arg12 : memref<64x144xf32, #tpu.memory_space<vmem>>) dst(%dma_wait3A_43 : memref<64x144xf32, #tpu.memory_space<vmem_shared>>)
      tpu.yield
    }) : () -> ()
    %add3A_12 = arith.constant 64 : i32
    %add3A_13 = arith.addi %mul3A_9, %add3A_12 : i32
    "tpu.region"() ({
      %run_scoped3A = tpu.sem_alloc : memref<!tpu.dma_semaphore, #tpu.memory_space<semaphore_mem>>
      %dma_start3A = arith.constant 0 : i32
      %dma_start3A_38 = tpu.memref_slice %arg14[%add3A_13, %dma_start3A] : memref<10240x144xf32, #tpu.memory_space<vmem_shared>> -> memref<64x144xf32, #tpu.memory_space<vmem_shared>>
      %dma_start3A_39 = arith.constant 0 : i32
      %dma_start3A_40 = tpu.memref_slice %arg14[%add3A_13, %dma_start3A_39] : memref<10240x144xf32, #tpu.memory_space<vmem_shared>> -> memref<64x144xf32, #tpu.memory_space<vmem_shared>>
      tpu.enqueue_dma source(%arg12 : memref<64x144xf32, #tpu.memory_space<vmem>>) target(%dma_start3A_40 : memref<64x144xf32, #tpu.memory_space<vmem_shared>>) target_semaphore(%run_scoped3A : memref<!tpu.dma_semaphore, #tpu.memory_space<semaphore_mem>>)
      %dma_wait3A = arith.constant 0 : i32
      %dma_wait3A_41 = tpu.memref_slice %arg14[%add3A_13, %dma_wait3A] : memref<10240x144xf32, #tpu.memory_space<vmem_shared>> -> memref<64x144xf32, #tpu.memory_space<vmem_shared>>
      %dma_wait3A_42 = arith.constant 0 : i32
      %dma_wait3A_43 = tpu.memref_slice %arg14[%add3A_13, %dma_wait3A_42] : memref<10240x144xf32, #tpu.memory_space<vmem_shared>> -> memref<64x144xf32, #tpu.memory_space<vmem_shared>>
      tpu.wait_dma2 semaphore(%run_scoped3A : memref<!tpu.dma_semaphore, #tpu.memory_space<semaphore_mem>>) src(%arg12 : memref<64x144xf32, #tpu.memory_space<vmem>>) dst(%dma_wait3A_43 : memref<64x144xf32, #tpu.memory_space<vmem_shared>>)
      tpu.yield
    }) : () -> ()
    %add3A_14 = arith.constant 128 : i32
    %add3A_15 = arith.addi %mul3A_9, %add3A_14 : i32
    "tpu.region"() ({
      %run_scoped3A = tpu.sem_alloc : memref<!tpu.dma_semaphore, #tpu.memory_space<semaphore_mem>>
      %dma_start3A = arith.constant 0 : i32
      %dma_start3A_38 = tpu.memref_slice %arg14[%add3A_15, %dma_start3A] : memref<10240x144xf32, #tpu.memory_space<vmem_shared>> -> memref<64x144xf32, #tpu.memory_space<vmem_shared>>
      %dma_start3A_39 = arith.constant 0 : i32
      %dma_start3A_40 = tpu.memref_slice %arg14[%add3A_15, %dma_start3A_39] : memref<10240x144xf32, #tpu.memory_space<vmem_shared>> -> memref<64x144xf32, #tpu.memory_space<vmem_shared>>
      tpu.enqueue_dma source(%arg12 : memref<64x144xf32, #tpu.memory_space<vmem>>) target(%dma_start3A_40 : memref<64x144xf32, #tpu.memory_space<vmem_shared>>) target_semaphore(%run_scoped3A : memref<!tpu.dma_semaphore, #tpu.memory_space<semaphore_mem>>)
      %dma_wait3A = arith.constant 0 : i32
      %dma_wait3A_41 = tpu.memref_slice %arg14[%add3A_15, %dma_wait3A] : memref<10240x144xf32, #tpu.memory_space<vmem_shared>> -> memref<64x144xf32, #tpu.memory_space<vmem_shared>>
      %dma_wait3A_42 = arith.constant 0 : i32
      %dma_wait3A_43 = tpu.memref_slice %arg14[%add3A_15, %dma_wait3A_42] : memref<10240x144xf32, #tpu.memory_space<vmem_shared>> -> memref<64x144xf32, #tpu.memory_space<vmem_shared>>
      tpu.wait_dma2 semaphore(%run_scoped3A : memref<!tpu.dma_semaphore, #tpu.memory_space<semaphore_mem>>) src(%arg12 : memref<64x144xf32, #tpu.memory_space<vmem>>) dst(%dma_wait3A_43 : memref<64x144xf32, #tpu.memory_space<vmem_shared>>)
      tpu.yield
    }) : () -> ()
    %add3A_16 = arith.constant 192 : i32
    %add3A_17 = arith.addi %mul3A_9, %add3A_16 : i32
    "tpu.region"() ({
      %run_scoped3A = tpu.sem_alloc : memref<!tpu.dma_semaphore, #tpu.memory_space<semaphore_mem>>
      %dma_start3A = arith.constant 0 : i32
      %dma_start3A_38 = tpu.memref_slice %arg14[%add3A_17, %dma_start3A] : memref<10240x144xf32, #tpu.memory_space<vmem_shared>> -> memref<64x144xf32, #tpu.memory_space<vmem_shared>>
      %dma_start3A_39 = arith.constant 0 : i32
      %dma_start3A_40 = tpu.memref_slice %arg14[%add3A_17, %dma_start3A_39] : memref<10240x144xf32, #tpu.memory_space<vmem_shared>> -> memref<64x144xf32, #tpu.memory_space<vmem_shared>>
      tpu.enqueue_dma source(%arg12 : memref<64x144xf32, #tpu.memory_space<vmem>>) target(%dma_start3A_40 : memref<64x144xf32, #tpu.memory_space<vmem_shared>>) target_semaphore(%run_scoped3A : memref<!tpu.dma_semaphore, #tpu.memory_space<semaphore_mem>>)
      %dma_wait3A = arith.constant 0 : i32
      %dma_wait3A_41 = tpu.memref_slice %arg14[%add3A_17, %dma_wait3A] : memref<10240x144xf32, #tpu.memory_space<vmem_shared>> -> memref<64x144xf32, #tpu.memory_space<vmem_shared>>
      %dma_wait3A_42 = arith.constant 0 : i32
      %dma_wait3A_43 = tpu.memref_slice %arg14[%add3A_17, %dma_wait3A_42] : memref<10240x144xf32, #tpu.memory_space<vmem_shared>> -> memref<64x144xf32, #tpu.memory_space<vmem_shared>>
      tpu.wait_dma2 semaphore(%run_scoped3A : memref<!tpu.dma_semaphore, #tpu.memory_space<semaphore_mem>>) src(%arg12 : memref<64x144xf32, #tpu.memory_space<vmem>>) dst(%dma_wait3A_43 : memref<64x144xf32, #tpu.memory_space<vmem_shared>>)
      tpu.yield
    }) : () -> ()
    %add3A_18 = arith.constant 256 : i32
    %add3A_19 = arith.addi %mul3A_9, %add3A_18 : i32
    "tpu.region"() ({
      %run_scoped3A = tpu.sem_alloc : memref<!tpu.dma_semaphore, #tpu.memory_space<semaphore_mem>>
      %dma_start3A = arith.constant 0 : i32
      %dma_start3A_38 = tpu.memref_slice %arg14[%add3A_19, %dma_start3A] : memref<10240x144xf32, #tpu.memory_space<vmem_shared>> -> memref<64x144xf32, #tpu.memory_space<vmem_shared>>
      %dma_start3A_39 = arith.constant 0 : i32
      %dma_start3A_40 = tpu.memref_slice %arg14[%add3A_19, %dma_start3A_39] : memref<10240x144xf32, #tpu.memory_space<vmem_shared>> -> memref<64x144xf32, #tpu.memory_space<vmem_shared>>
      tpu.enqueue_dma source(%arg12 : memref<64x144xf32, #tpu.memory_space<vmem>>) target(%dma_start3A_40 : memref<64x144xf32, #tpu.memory_space<vmem_shared>>) target_semaphore(%run_scoped3A : memref<!tpu.dma_semaphore, #tpu.memory_space<semaphore_mem>>)
      %dma_wait3A = arith.constant 0 : i32
      %dma_wait3A_41 = tpu.memref_slice %arg14[%add3A_19, %dma_wait3A] : memref<10240x144xf32, #tpu.memory_space<vmem_shared>> -> memref<64x144xf32, #tpu.memory_space<vmem_shared>>
      %dma_wait3A_42 = arith.constant 0 : i32
      %dma_wait3A_43 = tpu.memref_slice %arg14[%add3A_19, %dma_wait3A_42] : memref<10240x144xf32, #tpu.memory_space<vmem_shared>> -> memref<64x144xf32, #tpu.memory_space<vmem_shared>>
      tpu.wait_dma2 semaphore(%run_scoped3A : memref<!tpu.dma_semaphore, #tpu.memory_space<semaphore_mem>>) src(%arg12 : memref<64x144xf32, #tpu.memory_space<vmem>>) dst(%dma_wait3A_43 : memref<64x144xf32, #tpu.memory_space<vmem_shared>>)
      tpu.yield
    }) : () -> ()
    %add3A_20 = arith.constant 320 : i32
    %add3A_21 = arith.addi %mul3A_9, %add3A_20 : i32
    "tpu.region"() ({
      %run_scoped3A = tpu.sem_alloc : memref<!tpu.dma_semaphore, #tpu.memory_space<semaphore_mem>>
      %dma_start3A = arith.constant 0 : i32
      %dma_start3A_38 = tpu.memref_slice %arg14[%add3A_21, %dma_start3A] : memref<10240x144xf32, #tpu.memory_space<vmem_shared>> -> memref<64x144xf32, #tpu.memory_space<vmem_shared>>
      %dma_start3A_39 = arith.constant 0 : i32
      %dma_start3A_40 = tpu.memref_slice %arg14[%add3A_21, %dma_start3A_39] : memref<10240x144xf32, #tpu.memory_space<vmem_shared>> -> memref<64x144xf32, #tpu.memory_space<vmem_shared>>
      tpu.enqueue_dma source(%arg12 : memref<64x144xf32, #tpu.memory_space<vmem>>) target(%dma_start3A_40 : memref<64x144xf32, #tpu.memory_space<vmem_shared>>) target_semaphore(%run_scoped3A : memref<!tpu.dma_semaphore, #tpu.memory_space<semaphore_mem>>)
      %dma_wait3A = arith.constant 0 : i32
      %dma_wait3A_41 = tpu.memref_slice %arg14[%add3A_21, %dma_wait3A] : memref<10240x144xf32, #tpu.memory_space<vmem_shared>> -> memref<64x144xf32, #tpu.memory_space<vmem_shared>>
      %dma_wait3A_42 = arith.constant 0 : i32
      %dma_wait3A_43 = tpu.memref_slice %arg14[%add3A_21, %dma_wait3A_42] : memref<10240x144xf32, #tpu.memory_space<vmem_shared>> -> memref<64x144xf32, #tpu.memory_space<vmem_shared>>
      tpu.wait_dma2 semaphore(%run_scoped3A : memref<!tpu.dma_semaphore, #tpu.memory_space<semaphore_mem>>) src(%arg12 : memref<64x144xf32, #tpu.memory_space<vmem>>) dst(%dma_wait3A_43 : memref<64x144xf32, #tpu.memory_space<vmem_shared>>)
      tpu.yield
    }) : () -> ()
    %add3A_22 = arith.constant 384 : i32
    %add3A_23 = arith.addi %mul3A_9, %add3A_22 : i32
    "tpu.region"() ({
      %run_scoped3A = tpu.sem_alloc : memref<!tpu.dma_semaphore, #tpu.memory_space<semaphore_mem>>
      %dma_start3A = arith.constant 0 : i32
      %dma_start3A_38 = tpu.memref_slice %arg14[%add3A_23, %dma_start3A] : memref<10240x144xf32, #tpu.memory_space<vmem_shared>> -> memref<64x144xf32, #tpu.memory_space<vmem_shared>>
      %dma_start3A_39 = arith.constant 0 : i32
      %dma_start3A_40 = tpu.memref_slice %arg14[%add3A_23, %dma_start3A_39] : memref<10240x144xf32, #tpu.memory_space<vmem_shared>> -> memref<64x144xf32, #tpu.memory_space<vmem_shared>>
      tpu.enqueue_dma source(%arg12 : memref<64x144xf32, #tpu.memory_space<vmem>>) target(%dma_start3A_40 : memref<64x144xf32, #tpu.memory_space<vmem_shared>>) target_semaphore(%run_scoped3A : memref<!tpu.dma_semaphore, #tpu.memory_space<semaphore_mem>>)
      %dma_wait3A = arith.constant 0 : i32
      %dma_wait3A_41 = tpu.memref_slice %arg14[%add3A_23, %dma_wait3A] : memref<10240x144xf32, #tpu.memory_space<vmem_shared>> -> memref<64x144xf32, #tpu.memory_space<vmem_shared>>
      %dma_wait3A_42 = arith.constant 0 : i32
      %dma_wait3A_43 = tpu.memref_slice %arg14[%add3A_23, %dma_wait3A_42] : memref<10240x144xf32, #tpu.memory_space<vmem_shared>> -> memref<64x144xf32, #tpu.memory_space<vmem_shared>>
      tpu.wait_dma2 semaphore(%run_scoped3A : memref<!tpu.dma_semaphore, #tpu.memory_space<semaphore_mem>>) src(%arg12 : memref<64x144xf32, #tpu.memory_space<vmem>>) dst(%dma_wait3A_43 : memref<64x144xf32, #tpu.memory_space<vmem_shared>>)
      tpu.yield
    }) : () -> ()
    %add3A_24 = arith.constant 448 : i32
    %add3A_25 = arith.addi %mul3A_9, %add3A_24 : i32
    "tpu.region"() ({
      %run_scoped3A = tpu.sem_alloc : memref<!tpu.dma_semaphore, #tpu.memory_space<semaphore_mem>>
      %dma_start3A = arith.constant 0 : i32
      %dma_start3A_38 = tpu.memref_slice %arg14[%add3A_25, %dma_start3A] : memref<10240x144xf32, #tpu.memory_space<vmem_shared>> -> memref<64x144xf32, #tpu.memory_space<vmem_shared>>
      %dma_start3A_39 = arith.constant 0 : i32
      %dma_start3A_40 = tpu.memref_slice %arg14[%add3A_25, %dma_start3A_39] : memref<10240x144xf32, #tpu.memory_space<vmem_shared>> -> memref<64x144xf32, #tpu.memory_space<vmem_shared>>
      tpu.enqueue_dma source(%arg12 : memref<64x144xf32, #tpu.memory_space<vmem>>) target(%dma_start3A_40 : memref<64x144xf32, #tpu.memory_space<vmem_shared>>) target_semaphore(%run_scoped3A : memref<!tpu.dma_semaphore, #tpu.memory_space<semaphore_mem>>)
      %dma_wait3A = arith.constant 0 : i32
      %dma_wait3A_41 = tpu.memref_slice %arg14[%add3A_25, %dma_wait3A] : memref<10240x144xf32, #tpu.memory_space<vmem_shared>> -> memref<64x144xf32, #tpu.memory_space<vmem_shared>>
      %dma_wait3A_42 = arith.constant 0 : i32
      %dma_wait3A_43 = tpu.memref_slice %arg14[%add3A_25, %dma_wait3A_42] : memref<10240x144xf32, #tpu.memory_space<vmem_shared>> -> memref<64x144xf32, #tpu.memory_space<vmem_shared>>
      tpu.wait_dma2 semaphore(%run_scoped3A : memref<!tpu.dma_semaphore, #tpu.memory_space<semaphore_mem>>) src(%arg12 : memref<64x144xf32, #tpu.memory_space<vmem>>) dst(%dma_wait3A_43 : memref<64x144xf32, #tpu.memory_space<vmem_shared>>)
      tpu.yield
    }) : () -> ()
    %add3A_26 = arith.constant 512 : i32
    %add3A_27 = arith.addi %mul3A_9, %add3A_26 : i32
    "tpu.region"() ({
      %run_scoped3A = tpu.sem_alloc : memref<!tpu.dma_semaphore, #tpu.memory_space<semaphore_mem>>
      %dma_start3A = arith.constant 0 : i32
      %dma_start3A_38 = tpu.memref_slice %arg14[%add3A_27, %dma_start3A] : memref<10240x144xf32, #tpu.memory_space<vmem_shared>> -> memref<64x144xf32, #tpu.memory_space<vmem_shared>>
      %dma_start3A_39 = arith.constant 0 : i32
      %dma_start3A_40 = tpu.memref_slice %arg14[%add3A_27, %dma_start3A_39] : memref<10240x144xf32, #tpu.memory_space<vmem_shared>> -> memref<64x144xf32, #tpu.memory_space<vmem_shared>>
      tpu.enqueue_dma source(%arg12 : memref<64x144xf32, #tpu.memory_space<vmem>>) target(%dma_start3A_40 : memref<64x144xf32, #tpu.memory_space<vmem_shared>>) target_semaphore(%run_scoped3A : memref<!tpu.dma_semaphore, #tpu.memory_space<semaphore_mem>>)
      %dma_wait3A = arith.constant 0 : i32
      %dma_wait3A_41 = tpu.memref_slice %arg14[%add3A_27, %dma_wait3A] : memref<10240x144xf32, #tpu.memory_space<vmem_shared>> -> memref<64x144xf32, #tpu.memory_space<vmem_shared>>
      %dma_wait3A_42 = arith.constant 0 : i32
      %dma_wait3A_43 = tpu.memref_slice %arg14[%add3A_27, %dma_wait3A_42] : memref<10240x144xf32, #tpu.memory_space<vmem_shared>> -> memref<64x144xf32, #tpu.memory_space<vmem_shared>>
      tpu.wait_dma2 semaphore(%run_scoped3A : memref<!tpu.dma_semaphore, #tpu.memory_space<semaphore_mem>>) src(%arg12 : memref<64x144xf32, #tpu.memory_space<vmem>>) dst(%dma_wait3A_43 : memref<64x144xf32, #tpu.memory_space<vmem_shared>>)
      tpu.yield
    }) : () -> ()
    %add3A_28 = arith.constant 576 : i32
    %add3A_29 = arith.addi %mul3A_9, %add3A_28 : i32
    "tpu.region"() ({
      %run_scoped3A = tpu.sem_alloc : memref<!tpu.dma_semaphore, #tpu.memory_space<semaphore_mem>>
      %dma_start3A = arith.constant 0 : i32
      %dma_start3A_38 = tpu.memref_slice %arg14[%add3A_29, %dma_start3A] : memref<10240x144xf32, #tpu.memory_space<vmem_shared>> -> memref<64x144xf32, #tpu.memory_space<vmem_shared>>
      %dma_start3A_39 = arith.constant 0 : i32
      %dma_start3A_40 = tpu.memref_slice %arg14[%add3A_29, %dma_start3A_39] : memref<10240x144xf32, #tpu.memory_space<vmem_shared>> -> memref<64x144xf32, #tpu.memory_space<vmem_shared>>
      tpu.enqueue_dma source(%arg12 : memref<64x144xf32, #tpu.memory_space<vmem>>) target(%dma_start3A_40 : memref<64x144xf32, #tpu.memory_space<vmem_shared>>) target_semaphore(%run_scoped3A : memref<!tpu.dma_semaphore, #tpu.memory_space<semaphore_mem>>)
      %dma_wait3A = arith.constant 0 : i32
      %dma_wait3A_41 = tpu.memref_slice %arg14[%add3A_29, %dma_wait3A] : memref<10240x144xf32, #tpu.memory_space<vmem_shared>> -> memref<64x144xf32, #tpu.memory_space<vmem_shared>>
      %dma_wait3A_42 = arith.constant 0 : i32
      %dma_wait3A_43 = tpu.memref_slice %arg14[%add3A_29, %dma_wait3A_42] : memref<10240x144xf32, #tpu.memory_space<vmem_shared>> -> memref<64x144xf32, #tpu.memory_space<vmem_shared>>
      tpu.wait_dma2 semaphore(%run_scoped3A : memref<!tpu.dma_semaphore, #tpu.memory_space<semaphore_mem>>) src(%arg12 : memref<64x144xf32, #tpu.memory_space<vmem>>) dst(%dma_wait3A_43 : memref<64x144xf32, #tpu.memory_space<vmem_shared>>)
      tpu.yield
    }) : () -> ()
    %barrier3A = arith.constant 0 : index
    tpu.barrier barrier_id(%barrier3A)
    %scan3A_30 = arith.constant 0 : i32
    %scan3A_31 = arith.constant 0 : i32
    %scan3A_32 = arith.constant 157 : i32
    %scan3A_33 = arith.addi %scan3A_31, %scan3A_32 : i32
    %scan3A_34 = arith.constant 1 : i32
    %scan3A_35 = scf.for %scan3A_38 = %scan3A_31 to %scan3A_33 step %scan3A_34 iter_args(%scan3A_39 = %scan3A_30) -> (i32)  : i32 {
      %mul3A_40 = arith.constant 10048 : i32
      %mul3A_41 = arith.muli %add3A, %mul3A_40 : i32
      %mul3A_42 = arith.constant 64 : i32
      %mul3A_43 = arith.muli %scan3A_38, %mul3A_42 : i32
      %add3A_44 = arith.addi %mul3A_41, %mul3A_43 : i32
      "tpu.region"() ({
        %run_scoped3A = tpu.sem_alloc : memref<!tpu.dma_semaphore, #tpu.memory_space<semaphore_mem>>
        %dma_start3A_145 = tpu.memref_slice %arg5[%add3A_44] : memref<321536xi32, #tpu.memory_space<hbm>> -> memref<64xi32, #tpu.memory_space<hbm>>
        %dma_start3A_146 = tpu.memref_slice %arg5[%add3A_44] : memref<321536xi32, #tpu.memory_space<hbm>> -> memref<64xi32, #tpu.memory_space<hbm>>
        tpu.enqueue_dma source(%dma_start3A_146 : memref<64xi32, #tpu.memory_space<hbm>>) target(%arg10 : memref<64xi32, #tpu.memory_space<vmem>>) target_semaphore(%run_scoped3A : memref<!tpu.dma_semaphore, #tpu.memory_space<semaphore_mem>>)
        %dma_wait3A_147 = tpu.memref_slice %arg5[%add3A_44] : memref<321536xi32, #tpu.memory_space<hbm>> -> memref<64xi32, #tpu.memory_space<hbm>>
        %dma_wait3A_148 = tpu.memref_slice %arg5[%add3A_44] : memref<321536xi32, #tpu.memory_space<hbm>> -> memref<64xi32, #tpu.memory_space<hbm>>
        tpu.wait_dma2 semaphore(%run_scoped3A : memref<!tpu.dma_semaphore, #tpu.memory_space<semaphore_mem>>) src(%dma_wait3A_148 : memref<64xi32, #tpu.memory_space<hbm>>) dst(%arg10 : memref<64xi32, #tpu.memory_space<vmem>>)
        tpu.yield
      }) : () -> ()
      "tpu.region"() ({
        %run_scoped3A = tpu.sem_alloc : memref<!tpu.dma_semaphore, #tpu.memory_space<semaphore_mem>>
        %dma_start3A_145 = tpu.memref_slice %arg6[%add3A_44] : memref<321536xi32, #tpu.memory_space<hbm>> -> memref<64xi32, #tpu.memory_space<hbm>>
        %dma_start3A_146 = tpu.memref_slice %arg6[%add3A_44] : memref<321536xi32, #tpu.memory_space<hbm>> -> memref<64xi32, #tpu.memory_space<hbm>>
        tpu.enqueue_dma source(%dma_start3A_146 : memref<64xi32, #tpu.memory_space<hbm>>) target(%arg11 : memref<64xi32, #tpu.memory_space<vmem>>) target_semaphore(%run_scoped3A : memref<!tpu.dma_semaphore, #tpu.memory_space<semaphore_mem>>)
        %dma_wait3A_147 = tpu.memref_slice %arg6[%add3A_44] : memref<321536xi32, #tpu.memory_space<hbm>> -> memref<64xi32, #tpu.memory_space<hbm>>
        %dma_wait3A_148 = tpu.memref_slice %arg6[%add3A_44] : memref<321536xi32, #tpu.memory_space<hbm>> -> memref<64xi32, #tpu.memory_space<hbm>>
        tpu.wait_dma2 semaphore(%run_scoped3A : memref<!tpu.dma_semaphore, #tpu.memory_space<semaphore_mem>>) src(%dma_wait3A_148 : memref<64xi32, #tpu.memory_space<hbm>>) dst(%arg11 : memref<64xi32, #tpu.memory_space<vmem>>)
        tpu.yield
      }) : () -> ()
      %dma_start3A = arith.constant 0 : i32
      %dma_start3A_45 = arith.constant 0 : i32
      %dma_start3A_46 = tpu.memref_slice %arg2[%dma_start3A, %dma_start3A_45] : memref<10240x144xf32, #tpu.memory_space<hbm>> -> memref<10240x144xf32, #tpu.memory_space<hbm>>
      tpu.enqueue_indirect_dma source(%dma_start3A_46 : memref<10240x144xf32, #tpu.memory_space<hbm>>) target(%arg12 : memref<64x144xf32, #tpu.memory_space<vmem>>) offsets(%arg10 : memref<64xi32, #tpu.memory_space<vmem>>) semaphore(%arg15 : memref<!tpu.dma_semaphore, #tpu.memory_space<semaphore_mem>>)
      %get3A = arith.constant 0 : index
      %get3A_47 = tpu.vector_load %arg10[%get3A] {strides = array<i32>} : memref<64xi32, #tpu.memory_space<vmem>>, vector<16xi32>,
      %get3A_48 = arith.constant 0 : index
      %get3A_49 = tpu.vector_load %arg11[%get3A_48] {strides = array<i32>} : memref<64xi32, #tpu.memory_space<vmem>>, vector<16xi32>,
      %gather3A = tpu.vector_load_idx %arg8[%get3A_47] : memref<10240xf32, #tpu.memory_space<vmem>>[vector<16xi32>], vector<16xf32>,
      %gather3A_50 = tpu.vector_load_idx %arg9[%get3A_49] : memref<10240xf32, #tpu.memory_space<vmem>>[vector<16xi32>], vector<16xf32>,
      %add3A_51 = arith.addf %gather3A, %gather3A_50 : vector<16xf32>
      %mul3A_52 = arith.constant 2.000000e-01 : f32
      %mul3A_53 = vector.broadcast %mul3A_52 : f32 to vector<16xf32>
      %mul3A_54 = arith.mulf %mul3A_53, %add3A_51 : vector<16xf32>
      %max3A = arith.maximumf %add3A_51, %mul3A_54 : vector<16xf32>
      %exp3A = math.exp %max3A : vector<16xf32>
      %add3A_55 = arith.constant 0 : i32
      %add3A_56 = arith.addi %add3A_44, %add3A_55 : i32
      %add3A_57 = vector.broadcast %add3A_56 : i32 to vector<16xi32>
      %add3A_58 = arith.addi %add3A_57, %iota3A : vector<16xi32>
      %lt3A = arith.constant 320000 : i32
      %lt3A_59 = vector.broadcast %lt3A : i32 to vector<16xi32>
      %lt3A_60 = arith.cmpi slt, %add3A_58, %lt3A_59 : vector<16xi32>
      %jit3A = arith.constant 0.000000e+00 : f32
      %broadcast_in_dim3A_61 = vector.broadcast %jit3A : f32 to vector<16xf32>
      %select_n3A = arith.select %lt3A_60, %exp3A, %broadcast_in_dim3A_61 : vector<16xi1>, vector<16xf32>
      %swap3A = arith.constant 0 : index
      %swap3A_62 = tpu.vector_load %arg13[%swap3A] {strides = array<i32>} : memref<64xf32, #tpu.memory_space<vmem>>, vector<16xf32>,
      tpu.vector_store %arg13[%swap3A], %select_n3A {strides = array<i32>} : memref<64xf32, #tpu.memory_space<vmem>>, vector<16xf32>,
      %get3A_63 = arith.constant 16 : index
      %get3A_64 = tpu.vector_load %arg10[%get3A_63] {strides = array<i32>} : memref<64xi32, #tpu.memory_space<vmem>>, vector<16xi32>,
      %get3A_65 = arith.constant 16 : index
      %get3A_66 = tpu.vector_load %arg11[%get3A_65] {strides = array<i32>} : memref<64xi32, #tpu.memory_space<vmem>>, vector<16xi32>,
      %gather3A_67 = tpu.vector_load_idx %arg8[%get3A_64] : memref<10240xf32, #tpu.memory_space<vmem>>[vector<16xi32>], vector<16xf32>,
      %gather3A_68 = tpu.vector_load_idx %arg9[%get3A_66] : memref<10240xf32, #tpu.memory_space<vmem>>[vector<16xi32>], vector<16xf32>,
      %add3A_69 = arith.addf %gather3A_67, %gather3A_68 : vector<16xf32>
      %mul3A_70 = arith.constant 2.000000e-01 : f32
      %mul3A_71 = vector.broadcast %mul3A_70 : f32 to vector<16xf32>
      %mul3A_72 = arith.mulf %mul3A_71, %add3A_69 : vector<16xf32>
      %max3A_73 = arith.maximumf %add3A_69, %mul3A_72 : vector<16xf32>
      %exp3A_74 = math.exp %max3A_73 : vector<16xf32>
      %add3A_75 = arith.constant 16 : i32
      %add3A_76 = arith.addi %add3A_44, %add3A_75 : i32
      %add3A_77 = vector.broadcast %add3A_76 : i32 to vector<16xi32>
      %add3A_78 = arith.addi %add3A_77, %iota3A : vector<16xi32>
      %lt3A_79 = arith.constant 320000 : i32
      %lt3A_80 = vector.broadcast %lt3A_79 : i32 to vector<16xi32>
      %lt3A_81 = arith.cmpi slt, %add3A_78, %lt3A_80 : vector<16xi32>
      %jit3A_82 = arith.constant 0.000000e+00 : f32
      %broadcast_in_dim3A_83 = vector.broadcast %jit3A_82 : f32 to vector<16xf32>
      %select_n3A_84 = arith.select %lt3A_81, %exp3A_74, %broadcast_in_dim3A_83 : vector<16xi1>, vector<16xf32>
      %swap3A_85 = arith.constant 16 : index
      %swap3A_86 = tpu.vector_load %arg13[%swap3A_85] {strides = array<i32>} : memref<64xf32, #tpu.memory_space<vmem>>, vector<16xf32>,
      tpu.vector_store %arg13[%swap3A_85], %select_n3A_84 {strides = array<i32>} : memref<64xf32, #tpu.memory_space<vmem>>, vector<16xf32>,
      %get3A_87 = arith.constant 32 : index
      %get3A_88 = tpu.vector_load %arg10[%get3A_87] {strides = array<i32>} : memref<64xi32, #tpu.memory_space<vmem>>, vector<16xi32>,
      %get3A_89 = arith.constant 32 : index
      %get3A_90 = tpu.vector_load %arg11[%get3A_89] {strides = array<i32>} : memref<64xi32, #tpu.memory_space<vmem>>, vector<16xi32>,
      %gather3A_91 = tpu.vector_load_idx %arg8[%get3A_88] : memref<10240xf32, #tpu.memory_space<vmem>>[vector<16xi32>], vector<16xf32>,
      %gather3A_92 = tpu.vector_load_idx %arg9[%get3A_90] : memref<10240xf32, #tpu.memory_space<vmem>>[vector<16xi32>], vector<16xf32>,
      %add3A_93 = arith.addf %gather3A_91, %gather3A_92 : vector<16xf32>
      %mul3A_94 = arith.constant 2.000000e-01 : f32
      %mul3A_95 = vector.broadcast %mul3A_94 : f32 to vector<16xf32>
      %mul3A_96 = arith.mulf %mul3A_95, %add3A_93 : vector<16xf32>
      %max3A_97 = arith.maximumf %add3A_93, %mul3A_96 : vector<16xf32>
      %exp3A_98 = math.exp %max3A_97 : vector<16xf32>
      %add3A_99 = arith.constant 32 : i32
      %add3A_100 = arith.addi %add3A_44, %add3A_99 : i32
      %add3A_101 = vector.broadcast %add3A_100 : i32 to vector<16xi32>
      %add3A_102 = arith.addi %add3A_101, %iota3A : vector<16xi32>
      %lt3A_103 = arith.constant 320000 : i32
      %lt3A_104 = vector.broadcast %lt3A_103 : i32 to vector<16xi32>
      %lt3A_105 = arith.cmpi slt, %add3A_102, %lt3A_104 : vector<16xi32>
      %jit3A_106 = arith.constant 0.000000e+00 : f32
      %broadcast_in_dim3A_107 = vector.broadcast %jit3A_106 : f32 to vector<16xf32>
      %select_n3A_108 = arith.select %lt3A_105, %exp3A_98, %broadcast_in_dim3A_107 : vector<16xi1>, vector<16xf32>
      %swap3A_109 = arith.constant 32 : index
      %swap3A_110 = tpu.vector_load %arg13[%swap3A_109] {strides = array<i32>} : memref<64xf32, #tpu.memory_space<vmem>>, vector<16xf32>,
      tpu.vector_store %arg13[%swap3A_109], %select_n3A_108 {strides = array<i32>} : memref<64xf32, #tpu.memory_space<vmem>>, vector<16xf32>,
      %get3A_111 = arith.constant 48 : index
      %get3A_112 = tpu.vector_load %arg10[%get3A_111] {strides = array<i32>} : memref<64xi32, #tpu.memory_space<vmem>>, vector<16xi32>,
      %get3A_113 = arith.constant 48 : index
      %get3A_114 = tpu.vector_load %arg11[%get3A_113] {strides = array<i32>} : memref<64xi32, #tpu.memory_space<vmem>>, vector<16xi32>,
      %gather3A_115 = tpu.vector_load_idx %arg8[%get3A_112] : memref<10240xf32, #tpu.memory_space<vmem>>[vector<16xi32>], vector<16xf32>,
      %gather3A_116 = tpu.vector_load_idx %arg9[%get3A_114] : memref<10240xf32, #tpu.memory_space<vmem>>[vector<16xi32>], vector<16xf32>,
      %add3A_117 = arith.addf %gather3A_115, %gather3A_116 : vector<16xf32>
      %mul3A_118 = arith.constant 2.000000e-01 : f32
      %mul3A_119 = vector.broadcast %mul3A_118 : f32 to vector<16xf32>
      %mul3A_120 = arith.mulf %mul3A_119, %add3A_117 : vector<16xf32>
      %max3A_121 = arith.maximumf %add3A_117, %mul3A_120 : vector<16xf32>
      %exp3A_122 = math.exp %max3A_121 : vector<16xf32>
      %add3A_123 = arith.constant 48 : i32
      %add3A_124 = arith.addi %add3A_44, %add3A_123 : i32
      %add3A_125 = vector.broadcast %add3A_124 : i32 to vector<16xi32>
      %add3A_126 = arith.addi %add3A_125, %iota3A : vector<16xi32>
      %lt3A_127 = arith.constant 320000 : i32
      %lt3A_128 = vector.broadcast %lt3A_127 : i32 to vector<16xi32>
      %lt3A_129 = arith.cmpi slt, %add3A_126, %lt3A_128 : vector<16xi32>
      %jit3A_130 = arith.constant 0.000000e+00 : f32
      %broadcast_in_dim3A_131 = vector.broadcast %jit3A_130 : f32 to vector<16xf32>
      %select_n3A_132 = arith.select %lt3A_129, %exp3A_122, %broadcast_in_dim3A_131 : vector<16xi1>, vector<16xf32>
      %swap3A_133 = arith.constant 48 : index
      %swap3A_134 = tpu.vector_load %arg13[%swap3A_133] {strides = array<i32>} : memref<64xf32, #tpu.memory_space<vmem>>, vector<16xf32>,
      tpu.vector_store %arg13[%swap3A_133], %select_n3A_132 {strides = array<i32>} : memref<64xf32, #tpu.memory_space<vmem>>, vector<16xf32>,
      %dma_wait3A = arith.constant 0 : i32
      %dma_wait3A_135 = arith.constant 0 : i32
      %dma_wait3A_136 = tpu.memref_slice %arg2[%dma_wait3A, %dma_wait3A_135] : memref<10240x144xf32, #tpu.memory_space<hbm>> -> memref<10240x144xf32, #tpu.memory_space<hbm>>
      tpu.wait_indirect_dma semaphore(%arg15 : memref<!tpu.dma_semaphore, #tpu.memory_space<semaphore_mem>>) src(%dma_wait3A_136 : memref<10240x144xf32, #tpu.memory_space<hbm>>) dst(%arg12 : memref<64x144xf32, #tpu.memory_space<vmem>>)
      %scan3A_137 = arith.constant 0 : i32
      %scan3A_138 = arith.constant 0 : i32
      %scan3A_139 = arith.constant 64 : i32
      %scan3A_140 = arith.addi %scan3A_138, %scan3A_139 : i32
      %scan3A_141 = arith.constant 1 : i32
      %scan3A_142 = scf.for %scan3A_145 = %scan3A_138 to %scan3A_140 step %scan3A_141 iter_args(%scan3A_146 = %scan3A_137) -> (i32)  : i32 {
        %broadcast_in_dim3A_147 = vector.broadcast %scan3A_145 : i32 to vector<16xi32>
        %gather3A_148 = tpu.vector_load_idx %arg13[%broadcast_in_dim3A_147] : memref<64xf32, #tpu.memory_space<vmem>>[vector<16xi32>], vector<16xf32>,
        %get3A_149 = arith.index_cast %scan3A_145 : i32 to index
        %get3A_150 = arith.constant 0 : index
        %get3A_151 = tpu.vector_load %arg12[%get3A_149, %get3A_150] {strides = array<i32>} : memref<64x144xf32, #tpu.memory_space<vmem>>, vector<16xf32>,
        %mul3A_152 = arith.mulf %get3A_151, %gather3A_148 : vector<16xf32>
        %swap3A_153 = arith.index_cast %scan3A_145 : i32 to index
        %swap3A_154 = arith.constant 0 : index
        %swap3A_155 = tpu.vector_load %arg12[%swap3A_153, %swap3A_154] {strides = array<i32>} : memref<64x144xf32, #tpu.memory_space<vmem>>, vector<16xf32>,
        tpu.vector_store %arg12[%swap3A_153, %swap3A_154], %mul3A_152 {strides = array<i32>} : memref<64x144xf32, #tpu.memory_space<vmem>>, vector<16xf32>,
        %get3A_156 = arith.index_cast %scan3A_145 : i32 to index
        %get3A_157 = arith.constant 16 : index
        %get3A_158 = tpu.vector_load %arg12[%get3A_156, %get3A_157] {strides = array<i32>} : memref<64x144xf32, #tpu.memory_space<vmem>>, vector<16xf32>,
        %mul3A_159 = arith.mulf %get3A_158, %gather3A_148 : vector<16xf32>
        %swap3A_160 = arith.index_cast %scan3A_145 : i32 to index
        %swap3A_161 = arith.constant 16 : index
        %swap3A_162 = tpu.vector_load %arg12[%swap3A_160, %swap3A_161] {strides = array<i32>} : memref<64x144xf32, #tpu.memory_space<vmem>>, vector<16xf32>,
        tpu.vector_store %arg12[%swap3A_160, %swap3A_161], %mul3A_159 {strides = array<i32>} : memref<64x144xf32, #tpu.memory_space<vmem>>, vector<16xf32>,
        %get3A_163 = arith.index_cast %scan3A_145 : i32 to index
        %get3A_164 = arith.constant 32 : index
        %get3A_165 = tpu.vector_load %arg12[%get3A_163, %get3A_164] {strides = array<i32>} : memref<64x144xf32, #tpu.memory_space<vmem>>, vector<16xf32>,
        %mul3A_166 = arith.mulf %get3A_165, %gather3A_148 : vector<16xf32>
        %swap3A_167 = arith.index_cast %scan3A_145 : i32 to index
        %swap3A_168 = arith.constant 32 : index
        %swap3A_169 = tpu.vector_load %arg12[%swap3A_167, %swap3A_168] {strides = array<i32>} : memref<64x144xf32, #tpu.memory_space<vmem>>, vector<16xf32>,
        tpu.vector_store %arg12[%swap3A_167, %swap3A_168], %mul3A_166 {strides = array<i32>} : memref<64x144xf32, #tpu.memory_space<vmem>>, vector<16xf32>,
        %get3A_170 = arith.index_cast %scan3A_145 : i32 to index
        %get3A_171 = arith.constant 48 : index
        %get3A_172 = tpu.vector_load %arg12[%get3A_170, %get3A_171] {strides = array<i32>} : memref<64x144xf32, #tpu.memory_space<vmem>>, vector<16xf32>,
        %mul3A_173 = arith.mulf %get3A_172, %gather3A_148 : vector<16xf32>
        %swap3A_174 = arith.index_cast %scan3A_145 : i32 to index
        %swap3A_175 = arith.constant 48 : index
        %swap3A_176 = tpu.vector_load %arg12[%swap3A_174, %swap3A_175] {strides = array<i32>} : memref<64x144xf32, #tpu.memory_space<vmem>>, vector<16xf32>,
        tpu.vector_store %arg12[%swap3A_174, %swap3A_175], %mul3A_173 {strides = array<i32>} : memref<64x144xf32, #tpu.memory_space<vmem>>, vector<16xf32>,
        %get3A_177 = arith.index_cast %scan3A_145 : i32 to index
        %get3A_178 = arith.constant 64 : index
        %get3A_179 = tpu.vector_load %arg12[%get3A_177, %get3A_178] {strides = array<i32>} : memref<64x144xf32, #tpu.memory_space<vmem>>, vector<16xf32>,
        %mul3A_180 = arith.mulf %get3A_179, %gather3A_148 : vector<16xf32>
        %swap3A_181 = arith.index_cast %scan3A_145 : i32 to index
        %swap3A_182 = arith.constant 64 : index
        %swap3A_183 = tpu.vector_load %arg12[%swap3A_181, %swap3A_182] {strides = array<i32>} : memref<64x144xf32, #tpu.memory_space<vmem>>, vector<16xf32>,
        tpu.vector_store %arg12[%swap3A_181, %swap3A_182], %mul3A_180 {strides = array<i32>} : memref<64x144xf32, #tpu.memory_space<vmem>>, vector<16xf32>,
        %get3A_184 = arith.index_cast %scan3A_145 : i32 to index
        %get3A_185 = arith.constant 80 : index
        %get3A_186 = tpu.vector_load %arg12[%get3A_184, %get3A_185] {strides = array<i32>} : memref<64x144xf32, #tpu.memory_space<vmem>>, vector<16xf32>,
        %mul3A_187 = arith.mulf %get3A_186, %gather3A_148 : vector<16xf32>
        %swap3A_188 = arith.index_cast %scan3A_145 : i32 to index
        %swap3A_189 = arith.constant 80 : index
        %swap3A_190 = tpu.vector_load %arg12[%swap3A_188, %swap3A_189] {strides = array<i32>} : memref<64x144xf32, #tpu.memory_space<vmem>>, vector<16xf32>,
        tpu.vector_store %arg12[%swap3A_188, %swap3A_189], %mul3A_187 {strides = array<i32>} : memref<64x144xf32, #tpu.memory_space<vmem>>, vector<16xf32>,
        %get3A_191 = arith.index_cast %scan3A_145 : i32 to index
        %get3A_192 = arith.constant 96 : index
        %get3A_193 = tpu.vector_load %arg12[%get3A_191, %get3A_192] {strides = array<i32>} : memref<64x144xf32, #tpu.memory_space<vmem>>, vector<16xf32>,
        %mul3A_194 = arith.mulf %get3A_193, %gather3A_148 : vector<16xf32>
        %swap3A_195 = arith.index_cast %scan3A_145 : i32 to index
        %swap3A_196 = arith.constant 96 : index
        %swap3A_197 = tpu.vector_load %arg12[%swap3A_195, %swap3A_196] {strides = array<i32>} : memref<64x144xf32, #tpu.memory_space<vmem>>, vector<16xf32>,
        tpu.vector_store %arg12[%swap3A_195, %swap3A_196], %mul3A_194 {strides = array<i32>} : memref<64x144xf32, #tpu.memory_space<vmem>>, vector<16xf32>,
        %get3A_198 = arith.index_cast %scan3A_145 : i32 to index
        %get3A_199 = arith.constant 112 : index
        %get3A_200 = tpu.vector_load %arg12[%get3A_198, %get3A_199] {strides = array<i32>} : memref<64x144xf32, #tpu.memory_space<vmem>>, vector<16xf32>,
        %mul3A_201 = arith.mulf %get3A_200, %gather3A_148 : vector<16xf32>
        %swap3A_202 = arith.index_cast %scan3A_145 : i32 to index
        %swap3A_203 = arith.constant 112 : index
        %swap3A_204 = tpu.vector_load %arg12[%swap3A_202, %swap3A_203] {strides = array<i32>} : memref<64x144xf32, #tpu.memory_space<vmem>>, vector<16xf32>,
        tpu.vector_store %arg12[%swap3A_202, %swap3A_203], %mul3A_201 {strides = array<i32>} : memref<64x144xf32, #tpu.memory_space<vmem>>, vector<16xf32>,
        %get3A_205 = arith.index_cast %scan3A_145 : i32 to index
        %get3A_206 = arith.constant 128 : index
        %get3A_207 = tpu.vector_load %arg12[%get3A_205, %get3A_206] {strides = array<i32>} : memref<64x144xf32, #tpu.memory_space<vmem>>, vector<16xf32>,
        %mul3A_208 = arith.mulf %get3A_207, %gather3A_148 : vector<16xf32>
        %swap3A_209 = arith.index_cast %scan3A_145 : i32 to index
        %swap3A_210 = arith.constant 128 : index
        %swap3A_211 = tpu.vector_load %arg12[%swap3A_209, %swap3A_210] {strides = array<i32>} : memref<64x144xf32, #tpu.memory_space<vmem>>, vector<16xf32>,
        tpu.vector_store %arg12[%swap3A_209, %swap3A_210], %mul3A_208 {strides = array<i32>} : memref<64x144xf32, #tpu.memory_space<vmem>>, vector<16xf32>,
        %scan3A_212 = arith.constant 0 : i32
        scf.yield %scan3A_212 : i32
      }
      %scan3A_143 = arith.constant 64 : i32
      "tpu.region"() ({
        %run_scoped3A = tpu.sem_alloc : memref<!tpu.dma_semaphore, #tpu.memory_space<semaphore_mem>>
        %dma_start3A_145 = arith.constant 0 : i32
        %dma_start3A_146 = arith.constant 0 : i32
        %dma_start3A_147 = tpu.memref_slice %arg14[%dma_start3A_145, %dma_start3A_146] : memref<10240x144xf32, #tpu.memory_space<vmem_shared>> -> memref<10240x144xf32, #tpu.memory_space<vmem_shared>>
        tpu.enqueue_indirect_dma source(%arg12 : memref<64x144xf32, #tpu.memory_space<vmem>>) target(%dma_start3A_147 : memref<10240x144xf32, #tpu.memory_space<vmem_shared>>) offsets(%arg11 : memref<64xi32, #tpu.memory_space<vmem>>) semaphore(%run_scoped3A : memref<!tpu.dma_semaphore, #tpu.memory_space<semaphore_mem>>) {add = true}
        %dma_wait3A_148 = arith.constant 0 : i32
        %dma_wait3A_149 = arith.constant 0 : i32
        %dma_wait3A_150 = tpu.memref_slice %arg14[%dma_wait3A_148, %dma_wait3A_149] : memref<10240x144xf32, #tpu.memory_space<vmem_shared>> -> memref<10240x144xf32, #tpu.memory_space<vmem_shared>>
        tpu.wait_indirect_dma semaphore(%run_scoped3A : memref<!tpu.dma_semaphore, #tpu.memory_space<semaphore_mem>>) src(%arg12 : memref<64x144xf32, #tpu.memory_space<vmem>>) dst(%dma_wait3A_150 : memref<10240x144xf32, #tpu.memory_space<vmem_shared>>)
        tpu.yield
      }) : () -> ()
      %scan3A_144 = arith.constant 0 : i32
      scf.yield %scan3A_144 : i32
    }
    %scan3A_36 = arith.constant 157 : i32
    %barrier3A_37 = arith.constant 0 : index
    tpu.barrier barrier_id(%barrier3A_37)
    "tpu.region"() ({
      %run_scoped3A = tpu.sem_alloc : memref<!tpu.dma_semaphore, #tpu.memory_space<semaphore_mem>>
      %dma_start3A = arith.constant 0 : i32
      %dma_start3A_38 = tpu.memref_slice %arg7[%arg0, %mul3A_9, %dma_start3A] : memref<2x10240x144xf32, #tpu.memory_space<hbm>> -> memref<1x640x144xf32, #tpu.memory_space<hbm>>
      %dma_start3A_39 = tpu.memref_squeeze %dma_start3A_38 : memref<1x640x144xf32, #tpu.memory_space<hbm>> -> memref<640x144xf32, #tpu.memory_space<hbm>>
      %dma_start3A_40 = arith.constant 0 : i32
      %dma_start3A_41 = tpu.memref_slice %arg14[%mul3A_9, %dma_start3A_40] : memref<10240x144xf32, #tpu.memory_space<vmem_shared>> -> memref<640x144xf32, #tpu.memory_space<vmem_shared>>
      tpu.enqueue_dma source(%dma_start3A_41 : memref<640x144xf32, #tpu.memory_space<vmem_shared>>) target(%dma_start3A_39 : memref<640x144xf32, #tpu.memory_space<hbm>>) target_semaphore(%run_scoped3A : memref<!tpu.dma_semaphore, #tpu.memory_space<semaphore_mem>>)
      %dma_wait3A = arith.constant 0 : i32
      %dma_wait3A_42 = tpu.memref_slice %arg7[%arg0, %mul3A_9, %dma_wait3A] : memref<2x10240x144xf32, #tpu.memory_space<hbm>> -> memref<1x640x144xf32, #tpu.memory_space<hbm>>
      %dma_wait3A_43 = tpu.memref_squeeze %dma_wait3A_42 : memref<1x640x144xf32, #tpu.memory_space<hbm>> -> memref<640x144xf32, #tpu.memory_space<hbm>>
      %dma_wait3A_44 = arith.constant 0 : i32
      %dma_wait3A_45 = tpu.memref_slice %arg14[%mul3A_9, %dma_wait3A_44] : memref<10240x144xf32, #tpu.memory_space<vmem_shared>> -> memref<640x144xf32, #tpu.memory_space<vmem_shared>>
      tpu.wait_dma2 semaphore(%run_scoped3A : memref<!tpu.dma_semaphore, #tpu.memory_space<semaphore_mem>>) src(%dma_wait3A_45 : memref<640x144xf32, #tpu.memory_space<vmem_shared>>) dst(%dma_wait3A_43 : memref<640x144xf32, #tpu.memory_space<hbm>>)
      tpu.yield
    }) : () -> ()
    return
  }
}

#map = affine_map<(d0, d1) -> (0, 0)>
#map1 = affine_map<(d0, d1) -> (0)>
#map2 = affine_map<(d0, d1) -> (0, 0, 0)>
module attributes {stable_mosaic.version = 14 : i64} {
  func.func @k(%arg0: i32, %arg1: i32, %arg2: memref<10240x80xf32, #tpu.memory_space<hbm>>, %arg3: memref<10240xf32, #tpu.memory_space<hbm>>, %arg4: memref<10240xf32, #tpu.memory_space<hbm>>, %arg5: memref<321536xi32, #tpu.memory_space<hbm>>, %arg6: memref<321536xi32, #tpu.memory_space<hbm>>, %arg7: memref<2x10240x80xf32, #tpu.memory_space<hbm>>, %arg8: memref<10240xf32, #tpu.memory_space<vmem>>, %arg9: memref<10240xf32, #tpu.memory_space<vmem>>, %arg10: memref<64xi32, #tpu.memory_space<vmem>>, %arg11: memref<64xi32, #tpu.memory_space<vmem>>, %arg12: memref<64x80xf32, #tpu.memory_space<vmem>>, %arg13: memref<64xf32, #tpu.memory_space<vmem>>, %arg14: memref<10240x80xf32, #tpu.memory_space<vmem_shared>>, %arg15: memref<!tpu.dma_semaphore, #tpu.memory_space<semaphore_mem>>) attributes {dimension_semantics = [#tpu.dimension_semantics<core_parallel>, #tpu.dimension_semantics<subcore_parallel>], iteration_bounds = array<i64: 2, 16>, scalar_prefetch = 0 : i64, scratch_operands = 8 : i64, tpu.core_type = #tpu.core_type<sc_vector_subcore>, window_params = [{transform_indices = #map}, {transform_indices = #map1}, {transform_indices = #map1}, {transform_indices = #map1}, {transform_indices = #map1}, {transform_indices = #map2}]} {
    %mul3A = arith.constant 16 : i32
    %mul3A_0 = arith.muli %arg0, %mul3A : i32
    %add3A = arith.addi %mul3A_0, %arg1 : i32
    %iota3A = tpu.iota {dimensions = array<i32: 0>} : vector<16xi32>
    %broadcast_in_dim3A = arith.constant 0.000000e+00 : f32
    %broadcast_in_dim3A_1 = vector.broadcast %broadcast_in_dim3A : f32 to vector<16xf32>
    "tpu.region"() ({
      %run_scoped3A = tpu.sem_alloc : memref<!tpu.dma_semaphore, #tpu.memory_space<semaphore_mem>>
      tpu.enqueue_dma source(%arg3 : memref<10240xf32, #tpu.memory_space<hbm>>) target(%arg8 : memref<10240xf32, #tpu.memory_space<vmem>>) target_semaphore(%run_scoped3A : memref<!tpu.dma_semaphore, #tpu.memory_space<semaphore_mem>>)
      tpu.wait_dma2 semaphore(%run_scoped3A : memref<!tpu.dma_semaphore, #tpu.memory_space<semaphore_mem>>) src(%arg3 : memref<10240xf32, #tpu.memory_space<hbm>>) dst(%arg8 : memref<10240xf32, #tpu.memory_space<vmem>>)
      tpu.yield
    }) : () -> ()
    "tpu.region"() ({
      %run_scoped3A = tpu.sem_alloc : memref<!tpu.dma_semaphore, #tpu.memory_space<semaphore_mem>>
      tpu.enqueue_dma source(%arg4 : memref<10240xf32, #tpu.memory_space<hbm>>) target(%arg9 : memref<10240xf32, #tpu.memory_space<vmem>>) target_semaphore(%run_scoped3A : memref<!tpu.dma_semaphore, #tpu.memory_space<semaphore_mem>>)
      tpu.wait_dma2 semaphore(%run_scoped3A : memref<!tpu.dma_semaphore, #tpu.memory_space<semaphore_mem>>) src(%arg4 : memref<10240xf32, #tpu.memory_space<hbm>>) dst(%arg9 : memref<10240xf32, #tpu.memory_space<vmem>>)
      tpu.yield
    }) : () -> ()
    %scan3A = arith.constant 0 : i32
    %scan3A_2 = arith.constant 0 : i32
    %scan3A_3 = arith.constant 64 : i32
    %scan3A_4 = arith.addi %scan3A_2, %scan3A_3 : i32
    %scan3A_5 = arith.constant 1 : i32
    %scan3A_6 = scf.for %scan3A_38 = %scan3A_2 to %scan3A_4 step %scan3A_5 iter_args(%scan3A_39 = %scan3A) -> (i32)  : i32 {
      %swap3A = arith.index_cast %scan3A_38 : i32 to index
      %swap3A_40 = arith.constant 0 : index
      %swap3A_41 = tpu.vector_load %arg12[%swap3A, %swap3A_40] {strides = array<i32>} : memref<64x80xf32, #tpu.memory_space<vmem>>, vector<16xf32>,
      tpu.vector_store %arg12[%swap3A, %swap3A_40], %broadcast_in_dim3A_1 {strides = array<i32>} : memref<64x80xf32, #tpu.memory_space<vmem>>, vector<16xf32>,
      %swap3A_42 = arith.index_cast %scan3A_38 : i32 to index
      %swap3A_43 = arith.constant 16 : index
      %swap3A_44 = tpu.vector_load %arg12[%swap3A_42, %swap3A_43] {strides = array<i32>} : memref<64x80xf32, #tpu.memory_space<vmem>>, vector<16xf32>,
      tpu.vector_store %arg12[%swap3A_42, %swap3A_43], %broadcast_in_dim3A_1 {strides = array<i32>} : memref<64x80xf32, #tpu.memory_space<vmem>>, vector<16xf32>,
      %swap3A_45 = arith.index_cast %scan3A_38 : i32 to index
      %swap3A_46 = arith.constant 32 : index
      %swap3A_47 = tpu.vector_load %arg12[%swap3A_45, %swap3A_46] {strides = array<i32>} : memref<64x80xf32, #tpu.memory_space<vmem>>, vector<16xf32>,
      tpu.vector_store %arg12[%swap3A_45, %swap3A_46], %broadcast_in_dim3A_1 {strides = array<i32>} : memref<64x80xf32, #tpu.memory_space<vmem>>, vector<16xf32>,
      %swap3A_48 = arith.index_cast %scan3A_38 : i32 to index
      %swap3A_49 = arith.constant 48 : index
      %swap3A_50 = tpu.vector_load %arg12[%swap3A_48, %swap3A_49] {strides = array<i32>} : memref<64x80xf32, #tpu.memory_space<vmem>>, vector<16xf32>,
      tpu.vector_store %arg12[%swap3A_48, %swap3A_49], %broadcast_in_dim3A_1 {strides = array<i32>} : memref<64x80xf32, #tpu.memory_space<vmem>>, vector<16xf32>,
      %swap3A_51 = arith.index_cast %scan3A_38 : i32 to index
      %swap3A_52 = arith.constant 64 : index
      %swap3A_53 = tpu.vector_load %arg12[%swap3A_51, %swap3A_52] {strides = array<i32>} : memref<64x80xf32, #tpu.memory_space<vmem>>, vector<16xf32>,
      tpu.vector_store %arg12[%swap3A_51, %swap3A_52], %broadcast_in_dim3A_1 {strides = array<i32>} : memref<64x80xf32, #tpu.memory_space<vmem>>, vector<16xf32>,
      %scan3A_54 = arith.constant 0 : i32
      scf.yield %scan3A_54 : i32
    }
    %scan3A_7 = arith.constant 64 : i32
    %mul3A_8 = arith.constant 640 : i32
    %mul3A_9 = arith.muli %arg1, %mul3A_8 : i32
    %add3A_10 = arith.constant 0 : i32
    %add3A_11 = arith.addi %mul3A_9, %add3A_10 : i32
    "tpu.region"() ({
      %run_scoped3A = tpu.sem_alloc : memref<!tpu.dma_semaphore, #tpu.memory_space<semaphore_mem>>
      %dma_start3A = arith.constant 0 : i32
      %dma_start3A_38 = tpu.memref_slice %arg14[%add3A_11, %dma_start3A] : memref<10240x80xf32, #tpu.memory_space<vmem_shared>> -> memref<64x80xf32, #tpu.memory_space<vmem_shared>>
      %dma_start3A_39 = arith.constant 0 : i32
      %dma_start3A_40 = tpu.memref_slice %arg14[%add3A_11, %dma_start3A_39] : memref<10240x80xf32, #tpu.memory_space<vmem_shared>> -> memref<64x80xf32, #tpu.memory_space<vmem_shared>>
      tpu.enqueue_dma source(%arg12 : memref<64x80xf32, #tpu.memory_space<vmem>>) target(%dma_start3A_40 : memref<64x80xf32, #tpu.memory_space<vmem_shared>>) target_semaphore(%run_scoped3A : memref<!tpu.dma_semaphore, #tpu.memory_space<semaphore_mem>>)
      %dma_wait3A = arith.constant 0 : i32
      %dma_wait3A_41 = tpu.memref_slice %arg14[%add3A_11, %dma_wait3A] : memref<10240x80xf32, #tpu.memory_space<vmem_shared>> -> memref<64x80xf32, #tpu.memory_space<vmem_shared>>
      %dma_wait3A_42 = arith.constant 0 : i32
      %dma_wait3A_43 = tpu.memref_slice %arg14[%add3A_11, %dma_wait3A_42] : memref<10240x80xf32, #tpu.memory_space<vmem_shared>> -> memref<64x80xf32, #tpu.memory_space<vmem_shared>>
      tpu.wait_dma2 semaphore(%run_scoped3A : memref<!tpu.dma_semaphore, #tpu.memory_space<semaphore_mem>>) src(%arg12 : memref<64x80xf32, #tpu.memory_space<vmem>>) dst(%dma_wait3A_43 : memref<64x80xf32, #tpu.memory_space<vmem_shared>>)
      tpu.yield
    }) : () -> ()
    %add3A_12 = arith.constant 64 : i32
    %add3A_13 = arith.addi %mul3A_9, %add3A_12 : i32
    "tpu.region"() ({
      %run_scoped3A = tpu.sem_alloc : memref<!tpu.dma_semaphore, #tpu.memory_space<semaphore_mem>>
      %dma_start3A = arith.constant 0 : i32
      %dma_start3A_38 = tpu.memref_slice %arg14[%add3A_13, %dma_start3A] : memref<10240x80xf32, #tpu.memory_space<vmem_shared>> -> memref<64x80xf32, #tpu.memory_space<vmem_shared>>
      %dma_start3A_39 = arith.constant 0 : i32
      %dma_start3A_40 = tpu.memref_slice %arg14[%add3A_13, %dma_start3A_39] : memref<10240x80xf32, #tpu.memory_space<vmem_shared>> -> memref<64x80xf32, #tpu.memory_space<vmem_shared>>
      tpu.enqueue_dma source(%arg12 : memref<64x80xf32, #tpu.memory_space<vmem>>) target(%dma_start3A_40 : memref<64x80xf32, #tpu.memory_space<vmem_shared>>) target_semaphore(%run_scoped3A : memref<!tpu.dma_semaphore, #tpu.memory_space<semaphore_mem>>)
      %dma_wait3A = arith.constant 0 : i32
      %dma_wait3A_41 = tpu.memref_slice %arg14[%add3A_13, %dma_wait3A] : memref<10240x80xf32, #tpu.memory_space<vmem_shared>> -> memref<64x80xf32, #tpu.memory_space<vmem_shared>>
      %dma_wait3A_42 = arith.constant 0 : i32
      %dma_wait3A_43 = tpu.memref_slice %arg14[%add3A_13, %dma_wait3A_42] : memref<10240x80xf32, #tpu.memory_space<vmem_shared>> -> memref<64x80xf32, #tpu.memory_space<vmem_shared>>
      tpu.wait_dma2 semaphore(%run_scoped3A : memref<!tpu.dma_semaphore, #tpu.memory_space<semaphore_mem>>) src(%arg12 : memref<64x80xf32, #tpu.memory_space<vmem>>) dst(%dma_wait3A_43 : memref<64x80xf32, #tpu.memory_space<vmem_shared>>)
      tpu.yield
    }) : () -> ()
    %add3A_14 = arith.constant 128 : i32
    %add3A_15 = arith.addi %mul3A_9, %add3A_14 : i32
    "tpu.region"() ({
      %run_scoped3A = tpu.sem_alloc : memref<!tpu.dma_semaphore, #tpu.memory_space<semaphore_mem>>
      %dma_start3A = arith.constant 0 : i32
      %dma_start3A_38 = tpu.memref_slice %arg14[%add3A_15, %dma_start3A] : memref<10240x80xf32, #tpu.memory_space<vmem_shared>> -> memref<64x80xf32, #tpu.memory_space<vmem_shared>>
      %dma_start3A_39 = arith.constant 0 : i32
      %dma_start3A_40 = tpu.memref_slice %arg14[%add3A_15, %dma_start3A_39] : memref<10240x80xf32, #tpu.memory_space<vmem_shared>> -> memref<64x80xf32, #tpu.memory_space<vmem_shared>>
      tpu.enqueue_dma source(%arg12 : memref<64x80xf32, #tpu.memory_space<vmem>>) target(%dma_start3A_40 : memref<64x80xf32, #tpu.memory_space<vmem_shared>>) target_semaphore(%run_scoped3A : memref<!tpu.dma_semaphore, #tpu.memory_space<semaphore_mem>>)
      %dma_wait3A = arith.constant 0 : i32
      %dma_wait3A_41 = tpu.memref_slice %arg14[%add3A_15, %dma_wait3A] : memref<10240x80xf32, #tpu.memory_space<vmem_shared>> -> memref<64x80xf32, #tpu.memory_space<vmem_shared>>
      %dma_wait3A_42 = arith.constant 0 : i32
      %dma_wait3A_43 = tpu.memref_slice %arg14[%add3A_15, %dma_wait3A_42] : memref<10240x80xf32, #tpu.memory_space<vmem_shared>> -> memref<64x80xf32, #tpu.memory_space<vmem_shared>>
      tpu.wait_dma2 semaphore(%run_scoped3A : memref<!tpu.dma_semaphore, #tpu.memory_space<semaphore_mem>>) src(%arg12 : memref<64x80xf32, #tpu.memory_space<vmem>>) dst(%dma_wait3A_43 : memref<64x80xf32, #tpu.memory_space<vmem_shared>>)
      tpu.yield
    }) : () -> ()
    %add3A_16 = arith.constant 192 : i32
    %add3A_17 = arith.addi %mul3A_9, %add3A_16 : i32
    "tpu.region"() ({
      %run_scoped3A = tpu.sem_alloc : memref<!tpu.dma_semaphore, #tpu.memory_space<semaphore_mem>>
      %dma_start3A = arith.constant 0 : i32
      %dma_start3A_38 = tpu.memref_slice %arg14[%add3A_17, %dma_start3A] : memref<10240x80xf32, #tpu.memory_space<vmem_shared>> -> memref<64x80xf32, #tpu.memory_space<vmem_shared>>
      %dma_start3A_39 = arith.constant 0 : i32
      %dma_start3A_40 = tpu.memref_slice %arg14[%add3A_17, %dma_start3A_39] : memref<10240x80xf32, #tpu.memory_space<vmem_shared>> -> memref<64x80xf32, #tpu.memory_space<vmem_shared>>
      tpu.enqueue_dma source(%arg12 : memref<64x80xf32, #tpu.memory_space<vmem>>) target(%dma_start3A_40 : memref<64x80xf32, #tpu.memory_space<vmem_shared>>) target_semaphore(%run_scoped3A : memref<!tpu.dma_semaphore, #tpu.memory_space<semaphore_mem>>)
      %dma_wait3A = arith.constant 0 : i32
      %dma_wait3A_41 = tpu.memref_slice %arg14[%add3A_17, %dma_wait3A] : memref<10240x80xf32, #tpu.memory_space<vmem_shared>> -> memref<64x80xf32, #tpu.memory_space<vmem_shared>>
      %dma_wait3A_42 = arith.constant 0 : i32
      %dma_wait3A_43 = tpu.memref_slice %arg14[%add3A_17, %dma_wait3A_42] : memref<10240x80xf32, #tpu.memory_space<vmem_shared>> -> memref<64x80xf32, #tpu.memory_space<vmem_shared>>
      tpu.wait_dma2 semaphore(%run_scoped3A : memref<!tpu.dma_semaphore, #tpu.memory_space<semaphore_mem>>) src(%arg12 : memref<64x80xf32, #tpu.memory_space<vmem>>) dst(%dma_wait3A_43 : memref<64x80xf32, #tpu.memory_space<vmem_shared>>)
      tpu.yield
    }) : () -> ()
    %add3A_18 = arith.constant 256 : i32
    %add3A_19 = arith.addi %mul3A_9, %add3A_18 : i32
    "tpu.region"() ({
      %run_scoped3A = tpu.sem_alloc : memref<!tpu.dma_semaphore, #tpu.memory_space<semaphore_mem>>
      %dma_start3A = arith.constant 0 : i32
      %dma_start3A_38 = tpu.memref_slice %arg14[%add3A_19, %dma_start3A] : memref<10240x80xf32, #tpu.memory_space<vmem_shared>> -> memref<64x80xf32, #tpu.memory_space<vmem_shared>>
      %dma_start3A_39 = arith.constant 0 : i32
      %dma_start3A_40 = tpu.memref_slice %arg14[%add3A_19, %dma_start3A_39] : memref<10240x80xf32, #tpu.memory_space<vmem_shared>> -> memref<64x80xf32, #tpu.memory_space<vmem_shared>>
      tpu.enqueue_dma source(%arg12 : memref<64x80xf32, #tpu.memory_space<vmem>>) target(%dma_start3A_40 : memref<64x80xf32, #tpu.memory_space<vmem_shared>>) target_semaphore(%run_scoped3A : memref<!tpu.dma_semaphore, #tpu.memory_space<semaphore_mem>>)
      %dma_wait3A = arith.constant 0 : i32
      %dma_wait3A_41 = tpu.memref_slice %arg14[%add3A_19, %dma_wait3A] : memref<10240x80xf32, #tpu.memory_space<vmem_shared>> -> memref<64x80xf32, #tpu.memory_space<vmem_shared>>
      %dma_wait3A_42 = arith.constant 0 : i32
      %dma_wait3A_43 = tpu.memref_slice %arg14[%add3A_19, %dma_wait3A_42] : memref<10240x80xf32, #tpu.memory_space<vmem_shared>> -> memref<64x80xf32, #tpu.memory_space<vmem_shared>>
      tpu.wait_dma2 semaphore(%run_scoped3A : memref<!tpu.dma_semaphore, #tpu.memory_space<semaphore_mem>>) src(%arg12 : memref<64x80xf32, #tpu.memory_space<vmem>>) dst(%dma_wait3A_43 : memref<64x80xf32, #tpu.memory_space<vmem_shared>>)
      tpu.yield
    }) : () -> ()
    %add3A_20 = arith.constant 320 : i32
    %add3A_21 = arith.addi %mul3A_9, %add3A_20 : i32
    "tpu.region"() ({
      %run_scoped3A = tpu.sem_alloc : memref<!tpu.dma_semaphore, #tpu.memory_space<semaphore_mem>>
      %dma_start3A = arith.constant 0 : i32
      %dma_start3A_38 = tpu.memref_slice %arg14[%add3A_21, %dma_start3A] : memref<10240x80xf32, #tpu.memory_space<vmem_shared>> -> memref<64x80xf32, #tpu.memory_space<vmem_shared>>
      %dma_start3A_39 = arith.constant 0 : i32
      %dma_start3A_40 = tpu.memref_slice %arg14[%add3A_21, %dma_start3A_39] : memref<10240x80xf32, #tpu.memory_space<vmem_shared>> -> memref<64x80xf32, #tpu.memory_space<vmem_shared>>
      tpu.enqueue_dma source(%arg12 : memref<64x80xf32, #tpu.memory_space<vmem>>) target(%dma_start3A_40 : memref<64x80xf32, #tpu.memory_space<vmem_shared>>) target_semaphore(%run_scoped3A : memref<!tpu.dma_semaphore, #tpu.memory_space<semaphore_mem>>)
      %dma_wait3A = arith.constant 0 : i32
      %dma_wait3A_41 = tpu.memref_slice %arg14[%add3A_21, %dma_wait3A] : memref<10240x80xf32, #tpu.memory_space<vmem_shared>> -> memref<64x80xf32, #tpu.memory_space<vmem_shared>>
      %dma_wait3A_42 = arith.constant 0 : i32
      %dma_wait3A_43 = tpu.memref_slice %arg14[%add3A_21, %dma_wait3A_42] : memref<10240x80xf32, #tpu.memory_space<vmem_shared>> -> memref<64x80xf32, #tpu.memory_space<vmem_shared>>
      tpu.wait_dma2 semaphore(%run_scoped3A : memref<!tpu.dma_semaphore, #tpu.memory_space<semaphore_mem>>) src(%arg12 : memref<64x80xf32, #tpu.memory_space<vmem>>) dst(%dma_wait3A_43 : memref<64x80xf32, #tpu.memory_space<vmem_shared>>)
      tpu.yield
    }) : () -> ()
    %add3A_22 = arith.constant 384 : i32
    %add3A_23 = arith.addi %mul3A_9, %add3A_22 : i32
    "tpu.region"() ({
      %run_scoped3A = tpu.sem_alloc : memref<!tpu.dma_semaphore, #tpu.memory_space<semaphore_mem>>
      %dma_start3A = arith.constant 0 : i32
      %dma_start3A_38 = tpu.memref_slice %arg14[%add3A_23, %dma_start3A] : memref<10240x80xf32, #tpu.memory_space<vmem_shared>> -> memref<64x80xf32, #tpu.memory_space<vmem_shared>>
      %dma_start3A_39 = arith.constant 0 : i32
      %dma_start3A_40 = tpu.memref_slice %arg14[%add3A_23, %dma_start3A_39] : memref<10240x80xf32, #tpu.memory_space<vmem_shared>> -> memref<64x80xf32, #tpu.memory_space<vmem_shared>>
      tpu.enqueue_dma source(%arg12 : memref<64x80xf32, #tpu.memory_space<vmem>>) target(%dma_start3A_40 : memref<64x80xf32, #tpu.memory_space<vmem_shared>>) target_semaphore(%run_scoped3A : memref<!tpu.dma_semaphore, #tpu.memory_space<semaphore_mem>>)
      %dma_wait3A = arith.constant 0 : i32
      %dma_wait3A_41 = tpu.memref_slice %arg14[%add3A_23, %dma_wait3A] : memref<10240x80xf32, #tpu.memory_space<vmem_shared>> -> memref<64x80xf32, #tpu.memory_space<vmem_shared>>
      %dma_wait3A_42 = arith.constant 0 : i32
      %dma_wait3A_43 = tpu.memref_slice %arg14[%add3A_23, %dma_wait3A_42] : memref<10240x80xf32, #tpu.memory_space<vmem_shared>> -> memref<64x80xf32, #tpu.memory_space<vmem_shared>>
      tpu.wait_dma2 semaphore(%run_scoped3A : memref<!tpu.dma_semaphore, #tpu.memory_space<semaphore_mem>>) src(%arg12 : memref<64x80xf32, #tpu.memory_space<vmem>>) dst(%dma_wait3A_43 : memref<64x80xf32, #tpu.memory_space<vmem_shared>>)
      tpu.yield
    }) : () -> ()
    %add3A_24 = arith.constant 448 : i32
    %add3A_25 = arith.addi %mul3A_9, %add3A_24 : i32
    "tpu.region"() ({
      %run_scoped3A = tpu.sem_alloc : memref<!tpu.dma_semaphore, #tpu.memory_space<semaphore_mem>>
      %dma_start3A = arith.constant 0 : i32
      %dma_start3A_38 = tpu.memref_slice %arg14[%add3A_25, %dma_start3A] : memref<10240x80xf32, #tpu.memory_space<vmem_shared>> -> memref<64x80xf32, #tpu.memory_space<vmem_shared>>
      %dma_start3A_39 = arith.constant 0 : i32
      %dma_start3A_40 = tpu.memref_slice %arg14[%add3A_25, %dma_start3A_39] : memref<10240x80xf32, #tpu.memory_space<vmem_shared>> -> memref<64x80xf32, #tpu.memory_space<vmem_shared>>
      tpu.enqueue_dma source(%arg12 : memref<64x80xf32, #tpu.memory_space<vmem>>) target(%dma_start3A_40 : memref<64x80xf32, #tpu.memory_space<vmem_shared>>) target_semaphore(%run_scoped3A : memref<!tpu.dma_semaphore, #tpu.memory_space<semaphore_mem>>)
      %dma_wait3A = arith.constant 0 : i32
      %dma_wait3A_41 = tpu.memref_slice %arg14[%add3A_25, %dma_wait3A] : memref<10240x80xf32, #tpu.memory_space<vmem_shared>> -> memref<64x80xf32, #tpu.memory_space<vmem_shared>>
      %dma_wait3A_42 = arith.constant 0 : i32
      %dma_wait3A_43 = tpu.memref_slice %arg14[%add3A_25, %dma_wait3A_42] : memref<10240x80xf32, #tpu.memory_space<vmem_shared>> -> memref<64x80xf32, #tpu.memory_space<vmem_shared>>
      tpu.wait_dma2 semaphore(%run_scoped3A : memref<!tpu.dma_semaphore, #tpu.memory_space<semaphore_mem>>) src(%arg12 : memref<64x80xf32, #tpu.memory_space<vmem>>) dst(%dma_wait3A_43 : memref<64x80xf32, #tpu.memory_space<vmem_shared>>)
      tpu.yield
    }) : () -> ()
    %add3A_26 = arith.constant 512 : i32
    %add3A_27 = arith.addi %mul3A_9, %add3A_26 : i32
    "tpu.region"() ({
      %run_scoped3A = tpu.sem_alloc : memref<!tpu.dma_semaphore, #tpu.memory_space<semaphore_mem>>
      %dma_start3A = arith.constant 0 : i32
      %dma_start3A_38 = tpu.memref_slice %arg14[%add3A_27, %dma_start3A] : memref<10240x80xf32, #tpu.memory_space<vmem_shared>> -> memref<64x80xf32, #tpu.memory_space<vmem_shared>>
      %dma_start3A_39 = arith.constant 0 : i32
      %dma_start3A_40 = tpu.memref_slice %arg14[%add3A_27, %dma_start3A_39] : memref<10240x80xf32, #tpu.memory_space<vmem_shared>> -> memref<64x80xf32, #tpu.memory_space<vmem_shared>>
      tpu.enqueue_dma source(%arg12 : memref<64x80xf32, #tpu.memory_space<vmem>>) target(%dma_start3A_40 : memref<64x80xf32, #tpu.memory_space<vmem_shared>>) target_semaphore(%run_scoped3A : memref<!tpu.dma_semaphore, #tpu.memory_space<semaphore_mem>>)
      %dma_wait3A = arith.constant 0 : i32
      %dma_wait3A_41 = tpu.memref_slice %arg14[%add3A_27, %dma_wait3A] : memref<10240x80xf32, #tpu.memory_space<vmem_shared>> -> memref<64x80xf32, #tpu.memory_space<vmem_shared>>
      %dma_wait3A_42 = arith.constant 0 : i32
      %dma_wait3A_43 = tpu.memref_slice %arg14[%add3A_27, %dma_wait3A_42] : memref<10240x80xf32, #tpu.memory_space<vmem_shared>> -> memref<64x80xf32, #tpu.memory_space<vmem_shared>>
      tpu.wait_dma2 semaphore(%run_scoped3A : memref<!tpu.dma_semaphore, #tpu.memory_space<semaphore_mem>>) src(%arg12 : memref<64x80xf32, #tpu.memory_space<vmem>>) dst(%dma_wait3A_43 : memref<64x80xf32, #tpu.memory_space<vmem_shared>>)
      tpu.yield
    }) : () -> ()
    %add3A_28 = arith.constant 576 : i32
    %add3A_29 = arith.addi %mul3A_9, %add3A_28 : i32
    "tpu.region"() ({
      %run_scoped3A = tpu.sem_alloc : memref<!tpu.dma_semaphore, #tpu.memory_space<semaphore_mem>>
      %dma_start3A = arith.constant 0 : i32
      %dma_start3A_38 = tpu.memref_slice %arg14[%add3A_29, %dma_start3A] : memref<10240x80xf32, #tpu.memory_space<vmem_shared>> -> memref<64x80xf32, #tpu.memory_space<vmem_shared>>
      %dma_start3A_39 = arith.constant 0 : i32
      %dma_start3A_40 = tpu.memref_slice %arg14[%add3A_29, %dma_start3A_39] : memref<10240x80xf32, #tpu.memory_space<vmem_shared>> -> memref<64x80xf32, #tpu.memory_space<vmem_shared>>
      tpu.enqueue_dma source(%arg12 : memref<64x80xf32, #tpu.memory_space<vmem>>) target(%dma_start3A_40 : memref<64x80xf32, #tpu.memory_space<vmem_shared>>) target_semaphore(%run_scoped3A : memref<!tpu.dma_semaphore, #tpu.memory_space<semaphore_mem>>)
      %dma_wait3A = arith.constant 0 : i32
      %dma_wait3A_41 = tpu.memref_slice %arg14[%add3A_29, %dma_wait3A] : memref<10240x80xf32, #tpu.memory_space<vmem_shared>> -> memref<64x80xf32, #tpu.memory_space<vmem_shared>>
      %dma_wait3A_42 = arith.constant 0 : i32
      %dma_wait3A_43 = tpu.memref_slice %arg14[%add3A_29, %dma_wait3A_42] : memref<10240x80xf32, #tpu.memory_space<vmem_shared>> -> memref<64x80xf32, #tpu.memory_space<vmem_shared>>
      tpu.wait_dma2 semaphore(%run_scoped3A : memref<!tpu.dma_semaphore, #tpu.memory_space<semaphore_mem>>) src(%arg12 : memref<64x80xf32, #tpu.memory_space<vmem>>) dst(%dma_wait3A_43 : memref<64x80xf32, #tpu.memory_space<vmem_shared>>)
      tpu.yield
    }) : () -> ()
    %barrier3A = arith.constant 0 : index
    tpu.barrier barrier_id(%barrier3A)
    %scan3A_30 = arith.constant 0 : i32
    %scan3A_31 = arith.constant 0 : i32
    %scan3A_32 = arith.constant 157 : i32
    %scan3A_33 = arith.addi %scan3A_31, %scan3A_32 : i32
    %scan3A_34 = arith.constant 1 : i32
    %scan3A_35 = scf.for %scan3A_38 = %scan3A_31 to %scan3A_33 step %scan3A_34 iter_args(%scan3A_39 = %scan3A_30) -> (i32)  : i32 {
      %mul3A_40 = arith.constant 10048 : i32
      %mul3A_41 = arith.muli %add3A, %mul3A_40 : i32
      %mul3A_42 = arith.constant 64 : i32
      %mul3A_43 = arith.muli %scan3A_38, %mul3A_42 : i32
      %add3A_44 = arith.addi %mul3A_41, %mul3A_43 : i32
      "tpu.region"() ({
        %run_scoped3A = tpu.sem_alloc : memref<!tpu.dma_semaphore, #tpu.memory_space<semaphore_mem>>
        %dma_start3A_145 = tpu.memref_slice %arg5[%add3A_44] : memref<321536xi32, #tpu.memory_space<hbm>> -> memref<64xi32, #tpu.memory_space<hbm>>
        %dma_start3A_146 = tpu.memref_slice %arg5[%add3A_44] : memref<321536xi32, #tpu.memory_space<hbm>> -> memref<64xi32, #tpu.memory_space<hbm>>
        tpu.enqueue_dma source(%dma_start3A_146 : memref<64xi32, #tpu.memory_space<hbm>>) target(%arg10 : memref<64xi32, #tpu.memory_space<vmem>>) target_semaphore(%run_scoped3A : memref<!tpu.dma_semaphore, #tpu.memory_space<semaphore_mem>>)
        %dma_wait3A_147 = tpu.memref_slice %arg5[%add3A_44] : memref<321536xi32, #tpu.memory_space<hbm>> -> memref<64xi32, #tpu.memory_space<hbm>>
        %dma_wait3A_148 = tpu.memref_slice %arg5[%add3A_44] : memref<321536xi32, #tpu.memory_space<hbm>> -> memref<64xi32, #tpu.memory_space<hbm>>
        tpu.wait_dma2 semaphore(%run_scoped3A : memref<!tpu.dma_semaphore, #tpu.memory_space<semaphore_mem>>) src(%dma_wait3A_148 : memref<64xi32, #tpu.memory_space<hbm>>) dst(%arg10 : memref<64xi32, #tpu.memory_space<vmem>>)
        tpu.yield
      }) : () -> ()
      "tpu.region"() ({
        %run_scoped3A = tpu.sem_alloc : memref<!tpu.dma_semaphore, #tpu.memory_space<semaphore_mem>>
        %dma_start3A_145 = tpu.memref_slice %arg6[%add3A_44] : memref<321536xi32, #tpu.memory_space<hbm>> -> memref<64xi32, #tpu.memory_space<hbm>>
        %dma_start3A_146 = tpu.memref_slice %arg6[%add3A_44] : memref<321536xi32, #tpu.memory_space<hbm>> -> memref<64xi32, #tpu.memory_space<hbm>>
        tpu.enqueue_dma source(%dma_start3A_146 : memref<64xi32, #tpu.memory_space<hbm>>) target(%arg11 : memref<64xi32, #tpu.memory_space<vmem>>) target_semaphore(%run_scoped3A : memref<!tpu.dma_semaphore, #tpu.memory_space<semaphore_mem>>)
        %dma_wait3A_147 = tpu.memref_slice %arg6[%add3A_44] : memref<321536xi32, #tpu.memory_space<hbm>> -> memref<64xi32, #tpu.memory_space<hbm>>
        %dma_wait3A_148 = tpu.memref_slice %arg6[%add3A_44] : memref<321536xi32, #tpu.memory_space<hbm>> -> memref<64xi32, #tpu.memory_space<hbm>>
        tpu.wait_dma2 semaphore(%run_scoped3A : memref<!tpu.dma_semaphore, #tpu.memory_space<semaphore_mem>>) src(%dma_wait3A_148 : memref<64xi32, #tpu.memory_space<hbm>>) dst(%arg11 : memref<64xi32, #tpu.memory_space<vmem>>)
        tpu.yield
      }) : () -> ()
      %dma_start3A = arith.constant 0 : i32
      %dma_start3A_45 = arith.constant 0 : i32
      %dma_start3A_46 = tpu.memref_slice %arg2[%dma_start3A, %dma_start3A_45] : memref<10240x80xf32, #tpu.memory_space<hbm>> -> memref<10240x80xf32, #tpu.memory_space<hbm>>
      tpu.enqueue_indirect_dma source(%dma_start3A_46 : memref<10240x80xf32, #tpu.memory_space<hbm>>) target(%arg12 : memref<64x80xf32, #tpu.memory_space<vmem>>) offsets(%arg10 : memref<64xi32, #tpu.memory_space<vmem>>) semaphore(%arg15 : memref<!tpu.dma_semaphore, #tpu.memory_space<semaphore_mem>>)
      %get3A = arith.constant 0 : index
      %get3A_47 = tpu.vector_load %arg10[%get3A] {strides = array<i32>} : memref<64xi32, #tpu.memory_space<vmem>>, vector<16xi32>,
      %get3A_48 = arith.constant 0 : index
      %get3A_49 = tpu.vector_load %arg11[%get3A_48] {strides = array<i32>} : memref<64xi32, #tpu.memory_space<vmem>>, vector<16xi32>,
      %gather3A = tpu.vector_load_idx %arg8[%get3A_47] : memref<10240xf32, #tpu.memory_space<vmem>>[vector<16xi32>], vector<16xf32>,
      %gather3A_50 = tpu.vector_load_idx %arg9[%get3A_49] : memref<10240xf32, #tpu.memory_space<vmem>>[vector<16xi32>], vector<16xf32>,
      %add3A_51 = arith.addf %gather3A, %gather3A_50 : vector<16xf32>
      %mul3A_52 = arith.constant 2.000000e-01 : f32
      %mul3A_53 = vector.broadcast %mul3A_52 : f32 to vector<16xf32>
      %mul3A_54 = arith.mulf %mul3A_53, %add3A_51 : vector<16xf32>
      %max3A = arith.maximumf %add3A_51, %mul3A_54 : vector<16xf32>
      %exp3A = math.exp %max3A : vector<16xf32>
      %add3A_55 = arith.constant 0 : i32
      %add3A_56 = arith.addi %add3A_44, %add3A_55 : i32
      %add3A_57 = vector.broadcast %add3A_56 : i32 to vector<16xi32>
      %add3A_58 = arith.addi %add3A_57, %iota3A : vector<16xi32>
      %lt3A = arith.constant 320000 : i32
      %lt3A_59 = vector.broadcast %lt3A : i32 to vector<16xi32>
      %lt3A_60 = arith.cmpi slt, %add3A_58, %lt3A_59 : vector<16xi32>
      %jit3A = arith.constant 0.000000e+00 : f32
      %broadcast_in_dim3A_61 = vector.broadcast %jit3A : f32 to vector<16xf32>
      %select_n3A = arith.select %lt3A_60, %exp3A, %broadcast_in_dim3A_61 : vector<16xi1>, vector<16xf32>
      %swap3A = arith.constant 0 : index
      %swap3A_62 = tpu.vector_load %arg13[%swap3A] {strides = array<i32>} : memref<64xf32, #tpu.memory_space<vmem>>, vector<16xf32>,
      tpu.vector_store %arg13[%swap3A], %select_n3A {strides = array<i32>} : memref<64xf32, #tpu.memory_space<vmem>>, vector<16xf32>,
      %get3A_63 = arith.constant 16 : index
      %get3A_64 = tpu.vector_load %arg10[%get3A_63] {strides = array<i32>} : memref<64xi32, #tpu.memory_space<vmem>>, vector<16xi32>,
      %get3A_65 = arith.constant 16 : index
      %get3A_66 = tpu.vector_load %arg11[%get3A_65] {strides = array<i32>} : memref<64xi32, #tpu.memory_space<vmem>>, vector<16xi32>,
      %gather3A_67 = tpu.vector_load_idx %arg8[%get3A_64] : memref<10240xf32, #tpu.memory_space<vmem>>[vector<16xi32>], vector<16xf32>,
      %gather3A_68 = tpu.vector_load_idx %arg9[%get3A_66] : memref<10240xf32, #tpu.memory_space<vmem>>[vector<16xi32>], vector<16xf32>,
      %add3A_69 = arith.addf %gather3A_67, %gather3A_68 : vector<16xf32>
      %mul3A_70 = arith.constant 2.000000e-01 : f32
      %mul3A_71 = vector.broadcast %mul3A_70 : f32 to vector<16xf32>
      %mul3A_72 = arith.mulf %mul3A_71, %add3A_69 : vector<16xf32>
      %max3A_73 = arith.maximumf %add3A_69, %mul3A_72 : vector<16xf32>
      %exp3A_74 = math.exp %max3A_73 : vector<16xf32>
      %add3A_75 = arith.constant 16 : i32
      %add3A_76 = arith.addi %add3A_44, %add3A_75 : i32
      %add3A_77 = vector.broadcast %add3A_76 : i32 to vector<16xi32>
      %add3A_78 = arith.addi %add3A_77, %iota3A : vector<16xi32>
      %lt3A_79 = arith.constant 320000 : i32
      %lt3A_80 = vector.broadcast %lt3A_79 : i32 to vector<16xi32>
      %lt3A_81 = arith.cmpi slt, %add3A_78, %lt3A_80 : vector<16xi32>
      %jit3A_82 = arith.constant 0.000000e+00 : f32
      %broadcast_in_dim3A_83 = vector.broadcast %jit3A_82 : f32 to vector<16xf32>
      %select_n3A_84 = arith.select %lt3A_81, %exp3A_74, %broadcast_in_dim3A_83 : vector<16xi1>, vector<16xf32>
      %swap3A_85 = arith.constant 16 : index
      %swap3A_86 = tpu.vector_load %arg13[%swap3A_85] {strides = array<i32>} : memref<64xf32, #tpu.memory_space<vmem>>, vector<16xf32>,
      tpu.vector_store %arg13[%swap3A_85], %select_n3A_84 {strides = array<i32>} : memref<64xf32, #tpu.memory_space<vmem>>, vector<16xf32>,
      %get3A_87 = arith.constant 32 : index
      %get3A_88 = tpu.vector_load %arg10[%get3A_87] {strides = array<i32>} : memref<64xi32, #tpu.memory_space<vmem>>, vector<16xi32>,
      %get3A_89 = arith.constant 32 : index
      %get3A_90 = tpu.vector_load %arg11[%get3A_89] {strides = array<i32>} : memref<64xi32, #tpu.memory_space<vmem>>, vector<16xi32>,
      %gather3A_91 = tpu.vector_load_idx %arg8[%get3A_88] : memref<10240xf32, #tpu.memory_space<vmem>>[vector<16xi32>], vector<16xf32>,
      %gather3A_92 = tpu.vector_load_idx %arg9[%get3A_90] : memref<10240xf32, #tpu.memory_space<vmem>>[vector<16xi32>], vector<16xf32>,
      %add3A_93 = arith.addf %gather3A_91, %gather3A_92 : vector<16xf32>
      %mul3A_94 = arith.constant 2.000000e-01 : f32
      %mul3A_95 = vector.broadcast %mul3A_94 : f32 to vector<16xf32>
      %mul3A_96 = arith.mulf %mul3A_95, %add3A_93 : vector<16xf32>
      %max3A_97 = arith.maximumf %add3A_93, %mul3A_96 : vector<16xf32>
      %exp3A_98 = math.exp %max3A_97 : vector<16xf32>
      %add3A_99 = arith.constant 32 : i32
      %add3A_100 = arith.addi %add3A_44, %add3A_99 : i32
      %add3A_101 = vector.broadcast %add3A_100 : i32 to vector<16xi32>
      %add3A_102 = arith.addi %add3A_101, %iota3A : vector<16xi32>
      %lt3A_103 = arith.constant 320000 : i32
      %lt3A_104 = vector.broadcast %lt3A_103 : i32 to vector<16xi32>
      %lt3A_105 = arith.cmpi slt, %add3A_102, %lt3A_104 : vector<16xi32>
      %jit3A_106 = arith.constant 0.000000e+00 : f32
      %broadcast_in_dim3A_107 = vector.broadcast %jit3A_106 : f32 to vector<16xf32>
      %select_n3A_108 = arith.select %lt3A_105, %exp3A_98, %broadcast_in_dim3A_107 : vector<16xi1>, vector<16xf32>
      %swap3A_109 = arith.constant 32 : index
      %swap3A_110 = tpu.vector_load %arg13[%swap3A_109] {strides = array<i32>} : memref<64xf32, #tpu.memory_space<vmem>>, vector<16xf32>,
      tpu.vector_store %arg13[%swap3A_109], %select_n3A_108 {strides = array<i32>} : memref<64xf32, #tpu.memory_space<vmem>>, vector<16xf32>,
      %get3A_111 = arith.constant 48 : index
      %get3A_112 = tpu.vector_load %arg10[%get3A_111] {strides = array<i32>} : memref<64xi32, #tpu.memory_space<vmem>>, vector<16xi32>,
      %get3A_113 = arith.constant 48 : index
      %get3A_114 = tpu.vector_load %arg11[%get3A_113] {strides = array<i32>} : memref<64xi32, #tpu.memory_space<vmem>>, vector<16xi32>,
      %gather3A_115 = tpu.vector_load_idx %arg8[%get3A_112] : memref<10240xf32, #tpu.memory_space<vmem>>[vector<16xi32>], vector<16xf32>,
      %gather3A_116 = tpu.vector_load_idx %arg9[%get3A_114] : memref<10240xf32, #tpu.memory_space<vmem>>[vector<16xi32>], vector<16xf32>,
      %add3A_117 = arith.addf %gather3A_115, %gather3A_116 : vector<16xf32>
      %mul3A_118 = arith.constant 2.000000e-01 : f32
      %mul3A_119 = vector.broadcast %mul3A_118 : f32 to vector<16xf32>
      %mul3A_120 = arith.mulf %mul3A_119, %add3A_117 : vector<16xf32>
      %max3A_121 = arith.maximumf %add3A_117, %mul3A_120 : vector<16xf32>
      %exp3A_122 = math.exp %max3A_121 : vector<16xf32>
      %add3A_123 = arith.constant 48 : i32
      %add3A_124 = arith.addi %add3A_44, %add3A_123 : i32
      %add3A_125 = vector.broadcast %add3A_124 : i32 to vector<16xi32>
      %add3A_126 = arith.addi %add3A_125, %iota3A : vector<16xi32>
      %lt3A_127 = arith.constant 320000 : i32
      %lt3A_128 = vector.broadcast %lt3A_127 : i32 to vector<16xi32>
      %lt3A_129 = arith.cmpi slt, %add3A_126, %lt3A_128 : vector<16xi32>
      %jit3A_130 = arith.constant 0.000000e+00 : f32
      %broadcast_in_dim3A_131 = vector.broadcast %jit3A_130 : f32 to vector<16xf32>
      %select_n3A_132 = arith.select %lt3A_129, %exp3A_122, %broadcast_in_dim3A_131 : vector<16xi1>, vector<16xf32>
      %swap3A_133 = arith.constant 48 : index
      %swap3A_134 = tpu.vector_load %arg13[%swap3A_133] {strides = array<i32>} : memref<64xf32, #tpu.memory_space<vmem>>, vector<16xf32>,
      tpu.vector_store %arg13[%swap3A_133], %select_n3A_132 {strides = array<i32>} : memref<64xf32, #tpu.memory_space<vmem>>, vector<16xf32>,
      %dma_wait3A = arith.constant 0 : i32
      %dma_wait3A_135 = arith.constant 0 : i32
      %dma_wait3A_136 = tpu.memref_slice %arg2[%dma_wait3A, %dma_wait3A_135] : memref<10240x80xf32, #tpu.memory_space<hbm>> -> memref<10240x80xf32, #tpu.memory_space<hbm>>
      tpu.wait_indirect_dma semaphore(%arg15 : memref<!tpu.dma_semaphore, #tpu.memory_space<semaphore_mem>>) src(%dma_wait3A_136 : memref<10240x80xf32, #tpu.memory_space<hbm>>) dst(%arg12 : memref<64x80xf32, #tpu.memory_space<vmem>>)
      %scan3A_137 = arith.constant 0 : i32
      %scan3A_138 = arith.constant 0 : i32
      %scan3A_139 = arith.constant 64 : i32
      %scan3A_140 = arith.addi %scan3A_138, %scan3A_139 : i32
      %scan3A_141 = arith.constant 1 : i32
      %scan3A_142 = scf.for %scan3A_145 = %scan3A_138 to %scan3A_140 step %scan3A_141 iter_args(%scan3A_146 = %scan3A_137) -> (i32)  : i32 {
        %broadcast_in_dim3A_147 = vector.broadcast %scan3A_145 : i32 to vector<16xi32>
        %gather3A_148 = tpu.vector_load_idx %arg13[%broadcast_in_dim3A_147] : memref<64xf32, #tpu.memory_space<vmem>>[vector<16xi32>], vector<16xf32>,
        %get3A_149 = arith.index_cast %scan3A_145 : i32 to index
        %get3A_150 = arith.constant 0 : index
        %get3A_151 = tpu.vector_load %arg12[%get3A_149, %get3A_150] {strides = array<i32>} : memref<64x80xf32, #tpu.memory_space<vmem>>, vector<16xf32>,
        %mul3A_152 = arith.mulf %get3A_151, %gather3A_148 : vector<16xf32>
        %swap3A_153 = arith.index_cast %scan3A_145 : i32 to index
        %swap3A_154 = arith.constant 0 : index
        %swap3A_155 = tpu.vector_load %arg12[%swap3A_153, %swap3A_154] {strides = array<i32>} : memref<64x80xf32, #tpu.memory_space<vmem>>, vector<16xf32>,
        tpu.vector_store %arg12[%swap3A_153, %swap3A_154], %mul3A_152 {strides = array<i32>} : memref<64x80xf32, #tpu.memory_space<vmem>>, vector<16xf32>,
        %get3A_156 = arith.index_cast %scan3A_145 : i32 to index
        %get3A_157 = arith.constant 16 : index
        %get3A_158 = tpu.vector_load %arg12[%get3A_156, %get3A_157] {strides = array<i32>} : memref<64x80xf32, #tpu.memory_space<vmem>>, vector<16xf32>,
        %mul3A_159 = arith.mulf %get3A_158, %gather3A_148 : vector<16xf32>
        %swap3A_160 = arith.index_cast %scan3A_145 : i32 to index
        %swap3A_161 = arith.constant 16 : index
        %swap3A_162 = tpu.vector_load %arg12[%swap3A_160, %swap3A_161] {strides = array<i32>} : memref<64x80xf32, #tpu.memory_space<vmem>>, vector<16xf32>,
        tpu.vector_store %arg12[%swap3A_160, %swap3A_161], %mul3A_159 {strides = array<i32>} : memref<64x80xf32, #tpu.memory_space<vmem>>, vector<16xf32>,
        %get3A_163 = arith.index_cast %scan3A_145 : i32 to index
        %get3A_164 = arith.constant 32 : index
        %get3A_165 = tpu.vector_load %arg12[%get3A_163, %get3A_164] {strides = array<i32>} : memref<64x80xf32, #tpu.memory_space<vmem>>, vector<16xf32>,
        %mul3A_166 = arith.mulf %get3A_165, %gather3A_148 : vector<16xf32>
        %swap3A_167 = arith.index_cast %scan3A_145 : i32 to index
        %swap3A_168 = arith.constant 32 : index
        %swap3A_169 = tpu.vector_load %arg12[%swap3A_167, %swap3A_168] {strides = array<i32>} : memref<64x80xf32, #tpu.memory_space<vmem>>, vector<16xf32>,
        tpu.vector_store %arg12[%swap3A_167, %swap3A_168], %mul3A_166 {strides = array<i32>} : memref<64x80xf32, #tpu.memory_space<vmem>>, vector<16xf32>,
        %get3A_170 = arith.index_cast %scan3A_145 : i32 to index
        %get3A_171 = arith.constant 48 : index
        %get3A_172 = tpu.vector_load %arg12[%get3A_170, %get3A_171] {strides = array<i32>} : memref<64x80xf32, #tpu.memory_space<vmem>>, vector<16xf32>,
        %mul3A_173 = arith.mulf %get3A_172, %gather3A_148 : vector<16xf32>
        %swap3A_174 = arith.index_cast %scan3A_145 : i32 to index
        %swap3A_175 = arith.constant 48 : index
        %swap3A_176 = tpu.vector_load %arg12[%swap3A_174, %swap3A_175] {strides = array<i32>} : memref<64x80xf32, #tpu.memory_space<vmem>>, vector<16xf32>,
        tpu.vector_store %arg12[%swap3A_174, %swap3A_175], %mul3A_173 {strides = array<i32>} : memref<64x80xf32, #tpu.memory_space<vmem>>, vector<16xf32>,
        %get3A_177 = arith.index_cast %scan3A_145 : i32 to index
        %get3A_178 = arith.constant 64 : index
        %get3A_179 = tpu.vector_load %arg12[%get3A_177, %get3A_178] {strides = array<i32>} : memref<64x80xf32, #tpu.memory_space<vmem>>, vector<16xf32>,
        %mul3A_180 = arith.mulf %get3A_179, %gather3A_148 : vector<16xf32>
        %swap3A_181 = arith.index_cast %scan3A_145 : i32 to index
        %swap3A_182 = arith.constant 64 : index
        %swap3A_183 = tpu.vector_load %arg12[%swap3A_181, %swap3A_182] {strides = array<i32>} : memref<64x80xf32, #tpu.memory_space<vmem>>, vector<16xf32>,
        tpu.vector_store %arg12[%swap3A_181, %swap3A_182], %mul3A_180 {strides = array<i32>} : memref<64x80xf32, #tpu.memory_space<vmem>>, vector<16xf32>,
        %scan3A_184 = arith.constant 0 : i32
        scf.yield %scan3A_184 : i32
      }
      %scan3A_143 = arith.constant 64 : i32
      "tpu.region"() ({
        %run_scoped3A = tpu.sem_alloc : memref<!tpu.dma_semaphore, #tpu.memory_space<semaphore_mem>>
        %dma_start3A_145 = arith.constant 0 : i32
        %dma_start3A_146 = arith.constant 0 : i32
        %dma_start3A_147 = tpu.memref_slice %arg14[%dma_start3A_145, %dma_start3A_146] : memref<10240x80xf32, #tpu.memory_space<vmem_shared>> -> memref<10240x80xf32, #tpu.memory_space<vmem_shared>>
        tpu.enqueue_indirect_dma source(%arg12 : memref<64x80xf32, #tpu.memory_space<vmem>>) target(%dma_start3A_147 : memref<10240x80xf32, #tpu.memory_space<vmem_shared>>) offsets(%arg11 : memref<64xi32, #tpu.memory_space<vmem>>) semaphore(%run_scoped3A : memref<!tpu.dma_semaphore, #tpu.memory_space<semaphore_mem>>) {add = true}
        %dma_wait3A_148 = arith.constant 0 : i32
        %dma_wait3A_149 = arith.constant 0 : i32
        %dma_wait3A_150 = tpu.memref_slice %arg14[%dma_wait3A_148, %dma_wait3A_149] : memref<10240x80xf32, #tpu.memory_space<vmem_shared>> -> memref<10240x80xf32, #tpu.memory_space<vmem_shared>>
        tpu.wait_indirect_dma semaphore(%run_scoped3A : memref<!tpu.dma_semaphore, #tpu.memory_space<semaphore_mem>>) src(%arg12 : memref<64x80xf32, #tpu.memory_space<vmem>>) dst(%dma_wait3A_150 : memref<10240x80xf32, #tpu.memory_space<vmem_shared>>)
        tpu.yield
      }) : () -> ()
      %scan3A_144 = arith.constant 0 : i32
      scf.yield %scan3A_144 : i32
    }
    %scan3A_36 = arith.constant 157 : i32
    %barrier3A_37 = arith.constant 0 : index
    tpu.barrier barrier_id(%barrier3A_37)
    "tpu.region"() ({
      %run_scoped3A = tpu.sem_alloc : memref<!tpu.dma_semaphore, #tpu.memory_space<semaphore_mem>>
      %dma_start3A = arith.constant 0 : i32
      %dma_start3A_38 = tpu.memref_slice %arg7[%arg0, %mul3A_9, %dma_start3A] : memref<2x10240x80xf32, #tpu.memory_space<hbm>> -> memref<1x640x80xf32, #tpu.memory_space<hbm>>
      %dma_start3A_39 = tpu.memref_squeeze %dma_start3A_38 : memref<1x640x80xf32, #tpu.memory_space<hbm>> -> memref<640x80xf32, #tpu.memory_space<hbm>>
      %dma_start3A_40 = arith.constant 0 : i32
      %dma_start3A_41 = tpu.memref_slice %arg14[%mul3A_9, %dma_start3A_40] : memref<10240x80xf32, #tpu.memory_space<vmem_shared>> -> memref<640x80xf32, #tpu.memory_space<vmem_shared>>
      tpu.enqueue_dma source(%dma_start3A_41 : memref<640x80xf32, #tpu.memory_space<vmem_shared>>) target(%dma_start3A_39 : memref<640x80xf32, #tpu.memory_space<hbm>>) target_semaphore(%run_scoped3A : memref<!tpu.dma_semaphore, #tpu.memory_space<semaphore_mem>>)
      %dma_wait3A = arith.constant 0 : i32
      %dma_wait3A_42 = tpu.memref_slice %arg7[%arg0, %mul3A_9, %dma_wait3A] : memref<2x10240x80xf32, #tpu.memory_space<hbm>> -> memref<1x640x80xf32, #tpu.memory_space<hbm>>
      %dma_wait3A_43 = tpu.memref_squeeze %dma_wait3A_42 : memref<1x640x80xf32, #tpu.memory_space<hbm>> -> memref<640x80xf32, #tpu.memory_space<hbm>>
      %dma_wait3A_44 = arith.constant 0 : i32
      %dma_wait3A_45 = tpu.memref_slice %arg14[%mul3A_9, %dma_wait3A_44] : memref<10240x80xf32, #tpu.memory_space<vmem_shared>> -> memref<640x80xf32, #tpu.memory_space<vmem_shared>>
      tpu.wait_dma2 semaphore(%run_scoped3A : memref<!tpu.dma_semaphore, #tpu.memory_space<semaphore_mem>>) src(%dma_wait3A_45 : memref<640x80xf32, #tpu.memory_space<vmem_shared>>) dst(%dma_wait3A_43 : memref<640x80xf32, #tpu.memory_space<hbm>>)
      tpu.yield
    }) : () -> ()
    return
  }
}

module attributes {stable_mosaic.version = 14 : i64} {
  func.func @body(%arg0: i32, %arg1: memref<1024x128xf32, #tpu.memory_space<vmem>>, %arg2: memref<128x144xf32, #tpu.memory_space<vmem>>, %arg3: memref<1x144xf32, #tpu.memory_space<vmem>>, %arg4: memref<1x144xf32, #tpu.memory_space<vmem>>, %arg5: memref<1024x144xf32, #tpu.memory_space<vmem>>, %arg6: memref<1024x16xf32, #tpu.memory_space<vmem>>, %arg7: memref<1024x16xf32, #tpu.memory_space<vmem>>, %arg8: memref<1024x16xf32, #tpu.memory_space<vmem>>) attributes {dimension_semantics = [#tpu.dimension_semantics<arbitrary>], iteration_bounds = array<i64: 10>, scalar_prefetch = 0 : i64, scratch_operands = 0 : i64, tpu.core_type = #tpu.core_type<tc>, window_params = [{transform_indices = @transform_0, window_bounds = array<i64: 1024, 128>}, {pipeline_mode = #tpu.pipeline_mode<synchronous>, transform_indices = @transform_1, window_bounds = array<i64: 128, 144>}, {pipeline_mode = #tpu.pipeline_mode<synchronous>, transform_indices = @transform_2, window_bounds = array<i64: 1, 144>}, {pipeline_mode = #tpu.pipeline_mode<synchronous>, transform_indices = @transform_3, window_bounds = array<i64: 1, 144>}, {transform_indices = @transform_4, window_bounds = array<i64: 1024, 144>}, {transform_indices = @transform_5, window_bounds = array<i64: 1024, 16>}, {transform_indices = @transform_6, window_bounds = array<i64: 1024, 16>}, {transform_indices = @transform_7, window_bounds = array<i64: 1024, 16>}]} {
    %get3A = arith.constant 0 : index
    %get3A_0 = arith.constant 0 : index
    %get3A_1 = vector.load %arg1[%get3A, %get3A_0] : memref<1024x128xf32, #tpu.memory_space<vmem>>, vector<1024x128xf32>
    %get3A_2 = arith.constant 0 : index
    %get3A_3 = arith.constant 0 : index
    %get3A_4 = vector.load %arg2[%get3A_2, %get3A_3] : memref<128x144xf32, #tpu.memory_space<vmem>>, vector<128x144xf32>
    %dot_general3A = arith.constant dense<0.000000e+00> : vector<1024x144xf32>
    %dot_general3A_5 = tpu.matmul %get3A_1, %get3A_4, %dot_general3A {dimension_numbers = #tpu.dot_dimension_numbers<[1], [0], [0], [1], [0, 0, 1, 1], [], []>, transpose_lhs_hint = false} : vector<1024x128xf32>, vector<128x144xf32>, vector<1024x144xf32> -> vector<1024x144xf32>
    %iota3A = tpu.iota {dimensions = array<i32: 1>} : vector<1024x144xi32>
    %eq3A = arith.constant 128 : i32
    %eq3A_6 = vector.broadcast %eq3A : i32 to vector<1024x144xi32>
    %eq3A_7 = arith.cmpi eq, %iota3A, %eq3A_6 : vector<1024x144xi32>
    %jit3A = arith.constant 1.000000e+00 : f32
    %jit3A_8 = arith.constant 0.000000e+00 : f32
    %broadcast_in_dim3A = vector.broadcast %jit3A : f32 to vector<1024x144xf32>
    %broadcast_in_dim3A_9 = vector.broadcast %jit3A_8 : f32 to vector<1024x144xf32>
    %select_n3A = arith.select %eq3A_7, %broadcast_in_dim3A, %broadcast_in_dim3A_9 : vector<1024x144xi1>, vector<1024x144xf32>
    %add3A = arith.addf %dot_general3A_5, %select_n3A : vector<1024x144xf32>
    %swap3A = arith.constant 0 : index
    %swap3A_10 = arith.constant 0 : index
    %swap3A_11 = vector.load %arg5[%swap3A, %swap3A_10] : memref<1024x144xf32, #tpu.memory_space<vmem>>, vector<1024x144xf32>
    tpu.vector_store %arg5[%swap3A, %swap3A_10], %add3A {strides = array<i32>} : memref<1024x144xf32, #tpu.memory_space<vmem>>, vector<1024x144xf32>,
    %get3A_12 = arith.constant 0 : index
    %get3A_13 = arith.constant 0 : index
    %get3A_14 = vector.load %arg3[%get3A_12, %get3A_13] : memref<1x144xf32, #tpu.memory_space<vmem>>, vector<1x144xf32>
    %mul3A = vector.broadcast %get3A_14 : vector<1x144xf32> to vector<1024x144xf32>
    %mul3A_15 = arith.mulf %add3A, %mul3A : vector<1024x144xf32>
    %reduce_sum3A = arith.constant dense<0.000000e+00> : vector<1024xf32>
    %reduce_sum3A_16 = vector.multi_reduction <add>, %mul3A_15, %reduce_sum3A [1] : vector<1024x144xf32> to vector<1024xf32>
    %broadcast_in_dim3A_17 = vector.shape_cast %reduce_sum3A_16 : vector<1024xf32> to vector<1024x1xf32>
    %get3A_18 = arith.constant 0 : index
    %get3A_19 = arith.constant 0 : index
    %get3A_20 = vector.load %arg4[%get3A_18, %get3A_19] : memref<1x144xf32, #tpu.memory_space<vmem>>, vector<1x144xf32>
    %mul3A_21 = vector.broadcast %get3A_20 : vector<1x144xf32> to vector<1024x144xf32>
    %mul3A_22 = arith.mulf %add3A, %mul3A_21 : vector<1024x144xf32>
    %reduce_sum3A_23 = arith.constant dense<0.000000e+00> : vector<1024xf32>
    %reduce_sum3A_24 = vector.multi_reduction <add>, %mul3A_22, %reduce_sum3A_23 [1] : vector<1024x144xf32> to vector<1024xf32>
    %broadcast_in_dim3A_25 = vector.shape_cast %reduce_sum3A_24 : vector<1024xf32> to vector<1024x1xf32>
    %broadcast_in_dim3A_26 = vector.shape_cast %broadcast_in_dim3A_17 : vector<1024x1xf32> to vector<1024x1xf32>
    %broadcast_in_dim3A_27 = vector.broadcast %broadcast_in_dim3A_26 : vector<1024x1xf32> to vector<1024x16xf32>
    %swap3A_28 = arith.constant 0 : index
    %swap3A_29 = arith.constant 0 : index
    %swap3A_30 = vector.load %arg7[%swap3A_28, %swap3A_29] : memref<1024x16xf32, #tpu.memory_space<vmem>>, vector<1024x16xf32>
    tpu.vector_store %arg7[%swap3A_28, %swap3A_29], %broadcast_in_dim3A_27 {strides = array<i32>} : memref<1024x16xf32, #tpu.memory_space<vmem>>, vector<1024x16xf32>,
    %broadcast_in_dim3A_31 = vector.shape_cast %broadcast_in_dim3A_25 : vector<1024x1xf32> to vector<1024x1xf32>
    %broadcast_in_dim3A_32 = vector.broadcast %broadcast_in_dim3A_31 : vector<1024x1xf32> to vector<1024x16xf32>
    %swap3A_33 = arith.constant 0 : index
    %swap3A_34 = arith.constant 0 : index
    %swap3A_35 = vector.load %arg8[%swap3A_33, %swap3A_34] : memref<1024x16xf32, #tpu.memory_space<vmem>>, vector<1024x16xf32>
    tpu.vector_store %arg8[%swap3A_33, %swap3A_34], %broadcast_in_dim3A_32 {strides = array<i32>} : memref<1024x16xf32, #tpu.memory_space<vmem>>, vector<1024x16xf32>,
    %add3A_36 = arith.addf %broadcast_in_dim3A_17, %broadcast_in_dim3A_25 : vector<1024x1xf32>
    %mul3A_37 = arith.constant 2.000000e-01 : f32
    %mul3A_38 = vector.broadcast %mul3A_37 : f32 to vector<1024x1xf32>
    %mul3A_39 = arith.mulf %mul3A_38, %add3A_36 : vector<1024x1xf32>
    %max3A = arith.maximumf %add3A_36, %mul3A_39 : vector<1024x1xf32>
    %exp3A = math.exp %max3A : vector<1024x1xf32>
    %broadcast_in_dim3A_40 = vector.shape_cast %exp3A : vector<1024x1xf32> to vector<1024x1xf32>
    %broadcast_in_dim3A_41 = vector.broadcast %broadcast_in_dim3A_40 : vector<1024x1xf32> to vector<1024x16xf32>
    %swap3A_42 = arith.constant 0 : index
    %swap3A_43 = arith.constant 0 : index
    %swap3A_44 = vector.load %arg6[%swap3A_42, %swap3A_43] : memref<1024x16xf32, #tpu.memory_space<vmem>>, vector<1024x16xf32>
    tpu.vector_store %arg6[%swap3A_42, %swap3A_43], %broadcast_in_dim3A_41 {strides = array<i32>} : memref<1024x16xf32, #tpu.memory_space<vmem>>, vector<1024x16xf32>,
    return
  }
  func.func @transform_0(%arg0: i32) -> (i32, i32) {
    %c0_i32 = arith.constant 0 : i32
    %c0_i32_0 = arith.constant 0 : i32
    return %arg0, %c0_i32 : i32, i32
  }
  func.func @transform_1(%arg0: i32) -> (i32, i32) {
    %c0_i32 = arith.constant 0 : i32
    %c0_i32_0 = arith.constant 0 : i32
    %c0_i32_1 = arith.constant 0 : i32
    return %c0_i32, %c0_i32_0 : i32, i32
  }
  func.func @transform_2(%arg0: i32) -> (i32, i32) {
    %c0_i32 = arith.constant 0 : i32
    %c0_i32_0 = arith.constant 0 : i32
    %c0_i32_1 = arith.constant 0 : i32
    return %c0_i32, %c0_i32_0 : i32, i32
  }
  func.func @transform_3(%arg0: i32) -> (i32, i32) {
    %c0_i32 = arith.constant 0 : i32
    %c0_i32_0 = arith.constant 0 : i32
    %c0_i32_1 = arith.constant 0 : i32
    return %c0_i32, %c0_i32_0 : i32, i32
  }
  func.func @transform_4(%arg0: i32) -> (i32, i32) {
    %c0_i32 = arith.constant 0 : i32
    %c0_i32_0 = arith.constant 0 : i32
    return %arg0, %c0_i32 : i32, i32
  }
  func.func @transform_5(%arg0: i32) -> (i32, i32) {
    %c0_i32 = arith.constant 0 : i32
    %c0_i32_0 = arith.constant 0 : i32
    return %arg0, %c0_i32 : i32, i32
  }
  func.func @transform_6(%arg0: i32) -> (i32, i32) {
    %c0_i32 = arith.constant 0 : i32
    %c0_i32_0 = arith.constant 0 : i32
    return %arg0, %c0_i32 : i32, i32
  }
  func.func @transform_7(%arg0: i32) -> (i32, i32) {
    %c0_i32 = arith.constant 0 : i32
    %c0_i32_0 = arith.constant 0 : i32
    return %arg0, %c0_i32 : i32, i32
  }
}

module attributes {stable_mosaic.version = 14 : i64} {
  func.func @body(%arg0: i32, %arg1: memref<2x1024x144xf32, #tpu.memory_space<vmem>>, %arg2: memref<1024x16xf32, #tpu.memory_space<vmem>>, %arg3: memref<1024x144xf32, #tpu.memory_space<vmem>>, %arg4: memref<1x128xf32, #tpu.memory_space<vmem>>, %arg5: memref<128x80xf32, #tpu.memory_space<vmem>>, %arg6: memref<1x80xf32, #tpu.memory_space<vmem>>, %arg7: memref<1x80xf32, #tpu.memory_space<vmem>>, %arg8: memref<1024x80xf32, #tpu.memory_space<vmem>>, %arg9: memref<1024x16xf32, #tpu.memory_space<vmem>>, %arg10: memref<1024x16xf32, #tpu.memory_space<vmem>>, %arg11: memref<1024x16xf32, #tpu.memory_space<vmem>>) attributes {dimension_semantics = [#tpu.dimension_semantics<arbitrary>], iteration_bounds = array<i64: 10>, scalar_prefetch = 0 : i64, scratch_operands = 0 : i64, tpu.core_type = #tpu.core_type<tc>, window_params = [{transform_indices = @transform_0, window_bounds = array<i64: 2, 1024, 144>}, {transform_indices = @transform_1, window_bounds = array<i64: 1024, 16>}, {transform_indices = @transform_2, window_bounds = array<i64: 1024, 144>}, {pipeline_mode = #tpu.pipeline_mode<synchronous>, transform_indices = @transform_3, window_bounds = array<i64: 1, 128>}, {pipeline_mode = #tpu.pipeline_mode<synchronous>, transform_indices = @transform_4, window_bounds = array<i64: 128, 80>}, {pipeline_mode = #tpu.pipeline_mode<synchronous>, transform_indices = @transform_5, window_bounds = array<i64: 1, 80>}, {pipeline_mode = #tpu.pipeline_mode<synchronous>, transform_indices = @transform_6, window_bounds = array<i64: 1, 80>}, {transform_indices = @transform_7, window_bounds = array<i64: 1024, 80>}, {transform_indices = @transform_8, window_bounds = array<i64: 1024, 16>}, {transform_indices = @transform_9, window_bounds = array<i64: 1024, 16>}, {transform_indices = @transform_10, window_bounds = array<i64: 1024, 16>}]} {
    %iota3A = tpu.iota {dimensions = array<i32: 1>} : vector<1024x144xi32>
    %eq3A = arith.constant 128 : i32
    %eq3A_0 = vector.broadcast %eq3A : i32 to vector<1024x144xi32>
    %eq3A_1 = arith.cmpi eq, %iota3A, %eq3A_0 : vector<1024x144xi32>
    %jit3A = arith.constant 1.000000e+00 : f32
    %jit3A_2 = arith.constant 0.000000e+00 : f32
    %broadcast_in_dim3A = vector.broadcast %jit3A : f32 to vector<1024x144xf32>
    %broadcast_in_dim3A_3 = vector.broadcast %jit3A_2 : f32 to vector<1024x144xf32>
    %select_n3A = arith.select %eq3A_1, %broadcast_in_dim3A, %broadcast_in_dim3A_3 : vector<1024x144xi1>, vector<1024x144xf32>
    %get3A = arith.constant 0 : index
    %get3A_4 = arith.constant 0 : index
    %get3A_5 = arith.constant 0 : index
    %get3A_6 = vector.load %arg1[%get3A, %get3A_4, %get3A_5] : memref<2x1024x144xf32, #tpu.memory_space<vmem>>, vector<1x1024x144xf32>
    %get3A_7 = vector.shape_cast %get3A_6 : vector<1x1024x144xf32> to vector<1024x144xf32>
    %get3A_8 = arith.constant 1 : index
    %get3A_9 = arith.constant 0 : index
    %get3A_10 = arith.constant 0 : index
    %get3A_11 = vector.load %arg1[%get3A_8, %get3A_9, %get3A_10] : memref<2x1024x144xf32, #tpu.memory_space<vmem>>, vector<1x1024x144xf32>
    %get3A_12 = vector.shape_cast %get3A_11 : vector<1x1024x144xf32> to vector<1024x144xf32>
    %add3A = arith.addf %get3A_7, %get3A_12 : vector<1024x144xf32>
    %get3A_13 = arith.constant 0 : index
    %get3A_14 = arith.constant 0 : index
    %get3A_15 = vector.load %arg2[%get3A_13, %get3A_14] : memref<1024x16xf32, #tpu.memory_space<vmem>>, vector<1024x1xf32>
    %get3A_16 = arith.constant 0 : index
    %get3A_17 = arith.constant 0 : index
    %get3A_18 = vector.load %arg3[%get3A_16, %get3A_17] : memref<1024x144xf32, #tpu.memory_space<vmem>>, vector<1024x144xf32>
    %mul3A = vector.broadcast %get3A_15 : vector<1024x1xf32> to vector<1024x144xf32>
    %mul3A_19 = arith.mulf %mul3A, %get3A_18 : vector<1024x144xf32>
    %add3A_20 = arith.addf %add3A, %mul3A_19 : vector<1024x144xf32>
    %mul3A_21 = arith.mulf %add3A_20, %select_n3A : vector<1024x144xf32>
    %reduce_sum3A = arith.constant dense<0.000000e+00> : vector<1024xf32>
    %reduce_sum3A_22 = vector.multi_reduction <add>, %mul3A_21, %reduce_sum3A [1] : vector<1024x144xf32> to vector<1024xf32>
    %broadcast_in_dim3A_23 = vector.shape_cast %reduce_sum3A_22 : vector<1024xf32> to vector<1024x1xf32>
    %add3A_24 = arith.constant 1.000000e-16 : f32
    %add3A_25 = vector.broadcast %add3A_24 : f32 to vector<1024x1xf32>
    %add3A_26 = arith.addf %broadcast_in_dim3A_23, %add3A_25 : vector<1024x1xf32>
    %slice3A = vector.extract_strided_slice %add3A_20 {offsets = [0, 0], sizes = [1024, 128], strides = [1, 1]} : vector<1024x144xf32> to vector<1024x128xf32>
    %div3A = vector.broadcast %add3A_26 : vector<1024x1xf32> to vector<1024x128xf32>
    %div3A_27 = arith.divf %slice3A, %div3A : vector<1024x128xf32>
    %get3A_28 = arith.constant 0 : index
    %get3A_29 = arith.constant 0 : index
    %get3A_30 = vector.load %arg4[%get3A_28, %get3A_29] : memref<1x128xf32, #tpu.memory_space<vmem>>, vector<1x128xf32>
    %add3A_31 = vector.broadcast %get3A_30 : vector<1x128xf32> to vector<1024x128xf32>
    %add3A_32 = arith.addf %div3A_27, %add3A_31 : vector<1024x128xf32>
    %max3A = arith.constant 0.000000e+00 : f32
    %max3A_33 = vector.broadcast %max3A : f32 to vector<1024x128xf32>
    %max3A_34 = arith.maximumf %add3A_32, %max3A_33 : vector<1024x128xf32>
    %get3A_35 = arith.constant 0 : index
    %get3A_36 = arith.constant 0 : index
    %get3A_37 = vector.load %arg5[%get3A_35, %get3A_36] : memref<128x80xf32, #tpu.memory_space<vmem>>, vector<128x80xf32>
    %dot_general3A = arith.constant dense<0.000000e+00> : vector<1024x80xf32>
    %dot_general3A_38 = tpu.matmul %max3A_34, %get3A_37, %dot_general3A {dimension_numbers = #tpu.dot_dimension_numbers<[1], [0], [0], [1], [0, 0, 1, 1], [], []>, transpose_lhs_hint = false} : vector<1024x128xf32>, vector<128x80xf32>, vector<1024x80xf32> -> vector<1024x80xf32>
    %iota3A_39 = tpu.iota {dimensions = array<i32: 1>} : vector<1024x80xi32>
    %eq3A_40 = arith.constant 64 : i32
    %eq3A_41 = vector.broadcast %eq3A_40 : i32 to vector<1024x80xi32>
    %eq3A_42 = arith.cmpi eq, %iota3A_39, %eq3A_41 : vector<1024x80xi32>
    %jit3A_43 = arith.constant 1.000000e+00 : f32
    %jit3A_44 = arith.constant 0.000000e+00 : f32
    %broadcast_in_dim3A_45 = vector.broadcast %jit3A_43 : f32 to vector<1024x80xf32>
    %broadcast_in_dim3A_46 = vector.broadcast %jit3A_44 : f32 to vector<1024x80xf32>
    %select_n3A_47 = arith.select %eq3A_42, %broadcast_in_dim3A_45, %broadcast_in_dim3A_46 : vector<1024x80xi1>, vector<1024x80xf32>
    %add3A_48 = arith.addf %dot_general3A_38, %select_n3A_47 : vector<1024x80xf32>
    %swap3A = arith.constant 0 : index
    %swap3A_49 = arith.constant 0 : index
    %swap3A_50 = vector.load %arg8[%swap3A, %swap3A_49] : memref<1024x80xf32, #tpu.memory_space<vmem>>, vector<1024x80xf32>
    tpu.vector_store %arg8[%swap3A, %swap3A_49], %add3A_48 {strides = array<i32>} : memref<1024x80xf32, #tpu.memory_space<vmem>>, vector<1024x80xf32>,
    %get3A_51 = arith.constant 0 : index
    %get3A_52 = arith.constant 0 : index
    %get3A_53 = vector.load %arg6[%get3A_51, %get3A_52] : memref<1x80xf32, #tpu.memory_space<vmem>>, vector<1x80xf32>
    %mul3A_54 = vector.broadcast %get3A_53 : vector<1x80xf32> to vector<1024x80xf32>
    %mul3A_55 = arith.mulf %add3A_48, %mul3A_54 : vector<1024x80xf32>
    %reduce_sum3A_56 = arith.constant dense<0.000000e+00> : vector<1024xf32>
    %reduce_sum3A_57 = vector.multi_reduction <add>, %mul3A_55, %reduce_sum3A_56 [1] : vector<1024x80xf32> to vector<1024xf32>
    %broadcast_in_dim3A_58 = vector.shape_cast %reduce_sum3A_57 : vector<1024xf32> to vector<1024x1xf32>
    %get3A_59 = arith.constant 0 : index
    %get3A_60 = arith.constant 0 : index
    %get3A_61 = vector.load %arg7[%get3A_59, %get3A_60] : memref<1x80xf32, #tpu.memory_space<vmem>>, vector<1x80xf32>
    %mul3A_62 = vector.broadcast %get3A_61 : vector<1x80xf32> to vector<1024x80xf32>
    %mul3A_63 = arith.mulf %add3A_48, %mul3A_62 : vector<1024x80xf32>
    %reduce_sum3A_64 = arith.constant dense<0.000000e+00> : vector<1024xf32>
    %reduce_sum3A_65 = vector.multi_reduction <add>, %mul3A_63, %reduce_sum3A_64 [1] : vector<1024x80xf32> to vector<1024xf32>
    %broadcast_in_dim3A_66 = vector.shape_cast %reduce_sum3A_65 : vector<1024xf32> to vector<1024x1xf32>
    %broadcast_in_dim3A_67 = vector.shape_cast %broadcast_in_dim3A_58 : vector<1024x1xf32> to vector<1024x1xf32>
    %broadcast_in_dim3A_68 = vector.broadcast %broadcast_in_dim3A_67 : vector<1024x1xf32> to vector<1024x16xf32>
    %swap3A_69 = arith.constant 0 : index
    %swap3A_70 = arith.constant 0 : index
    %swap3A_71 = vector.load %arg10[%swap3A_69, %swap3A_70] : memref<1024x16xf32, #tpu.memory_space<vmem>>, vector<1024x16xf32>
    tpu.vector_store %arg10[%swap3A_69, %swap3A_70], %broadcast_in_dim3A_68 {strides = array<i32>} : memref<1024x16xf32, #tpu.memory_space<vmem>>, vector<1024x16xf32>,
    %broadcast_in_dim3A_72 = vector.shape_cast %broadcast_in_dim3A_66 : vector<1024x1xf32> to vector<1024x1xf32>
    %broadcast_in_dim3A_73 = vector.broadcast %broadcast_in_dim3A_72 : vector<1024x1xf32> to vector<1024x16xf32>
    %swap3A_74 = arith.constant 0 : index
    %swap3A_75 = arith.constant 0 : index
    %swap3A_76 = vector.load %arg11[%swap3A_74, %swap3A_75] : memref<1024x16xf32, #tpu.memory_space<vmem>>, vector<1024x16xf32>
    tpu.vector_store %arg11[%swap3A_74, %swap3A_75], %broadcast_in_dim3A_73 {strides = array<i32>} : memref<1024x16xf32, #tpu.memory_space<vmem>>, vector<1024x16xf32>,
    %add3A_77 = arith.addf %broadcast_in_dim3A_58, %broadcast_in_dim3A_66 : vector<1024x1xf32>
    %mul3A_78 = arith.constant 2.000000e-01 : f32
    %mul3A_79 = vector.broadcast %mul3A_78 : f32 to vector<1024x1xf32>
    %mul3A_80 = arith.mulf %mul3A_79, %add3A_77 : vector<1024x1xf32>
    %max3A_81 = arith.maximumf %add3A_77, %mul3A_80 : vector<1024x1xf32>
    %exp3A = math.exp %max3A_81 : vector<1024x1xf32>
    %broadcast_in_dim3A_82 = vector.shape_cast %exp3A : vector<1024x1xf32> to vector<1024x1xf32>
    %broadcast_in_dim3A_83 = vector.broadcast %broadcast_in_dim3A_82 : vector<1024x1xf32> to vector<1024x16xf32>
    %swap3A_84 = arith.constant 0 : index
    %swap3A_85 = arith.constant 0 : index
    %swap3A_86 = vector.load %arg9[%swap3A_84, %swap3A_85] : memref<1024x16xf32, #tpu.memory_space<vmem>>, vector<1024x16xf32>
    tpu.vector_store %arg9[%swap3A_84, %swap3A_85], %broadcast_in_dim3A_83 {strides = array<i32>} : memref<1024x16xf32, #tpu.memory_space<vmem>>, vector<1024x16xf32>,
    return
  }
  func.func @transform_0(%arg0: i32) -> (i32, i32, i32) {
    %c0_i32 = arith.constant 0 : i32
    %c0_i32_0 = arith.constant 0 : i32
    %c0_i32_1 = arith.constant 0 : i32
    return %c0_i32, %arg0, %c0_i32_0 : i32, i32, i32
  }
  func.func @transform_1(%arg0: i32) -> (i32, i32) {
    %c0_i32 = arith.constant 0 : i32
    %c0_i32_0 = arith.constant 0 : i32
    return %arg0, %c0_i32 : i32, i32
  }
  func.func @transform_2(%arg0: i32) -> (i32, i32) {
    %c0_i32 = arith.constant 0 : i32
    %c0_i32_0 = arith.constant 0 : i32
    return %arg0, %c0_i32 : i32, i32
  }
  func.func @transform_3(%arg0: i32) -> (i32, i32) {
    %c0_i32 = arith.constant 0 : i32
    %c0_i32_0 = arith.constant 0 : i32
    %c0_i32_1 = arith.constant 0 : i32
    return %c0_i32, %c0_i32_0 : i32, i32
  }
  func.func @transform_4(%arg0: i32) -> (i32, i32) {
    %c0_i32 = arith.constant 0 : i32
    %c0_i32_0 = arith.constant 0 : i32
    %c0_i32_1 = arith.constant 0 : i32
    return %c0_i32, %c0_i32_0 : i32, i32
  }
  func.func @transform_5(%arg0: i32) -> (i32, i32) {
    %c0_i32 = arith.constant 0 : i32
    %c0_i32_0 = arith.constant 0 : i32
    %c0_i32_1 = arith.constant 0 : i32
    return %c0_i32, %c0_i32_0 : i32, i32
  }
  func.func @transform_6(%arg0: i32) -> (i32, i32) {
    %c0_i32 = arith.constant 0 : i32
    %c0_i32_0 = arith.constant 0 : i32
    %c0_i32_1 = arith.constant 0 : i32
    return %c0_i32, %c0_i32_0 : i32, i32
  }
  func.func @transform_7(%arg0: i32) -> (i32, i32) {
    %c0_i32 = arith.constant 0 : i32
    %c0_i32_0 = arith.constant 0 : i32
    return %arg0, %c0_i32 : i32, i32
  }
  func.func @transform_8(%arg0: i32) -> (i32, i32) {
    %c0_i32 = arith.constant 0 : i32
    %c0_i32_0 = arith.constant 0 : i32
    return %arg0, %c0_i32 : i32, i32
  }
  func.func @transform_9(%arg0: i32) -> (i32, i32) {
    %c0_i32 = arith.constant 0 : i32
    %c0_i32_0 = arith.constant 0 : i32
    return %arg0, %c0_i32 : i32, i32
  }
  func.func @transform_10(%arg0: i32) -> (i32, i32) {
    %c0_i32 = arith.constant 0 : i32
    %c0_i32_0 = arith.constant 0 : i32
    return %arg0, %c0_i32 : i32, i32
  }
}

module attributes {stable_mosaic.version = 14 : i64} {
  func.func @body(%arg0: i32, %arg1: memref<2x1024x80xf32, #tpu.memory_space<vmem>>, %arg2: memref<1024x16xf32, #tpu.memory_space<vmem>>, %arg3: memref<1024x80xf32, #tpu.memory_space<vmem>>, %arg4: memref<1x64xf32, #tpu.memory_space<vmem>>, %arg5: memref<1024x64xf32, #tpu.memory_space<vmem>>) attributes {dimension_semantics = [#tpu.dimension_semantics<arbitrary>], iteration_bounds = array<i64: 10>, scalar_prefetch = 0 : i64, scratch_operands = 0 : i64, tpu.core_type = #tpu.core_type<tc>, window_params = [{transform_indices = @transform_0, window_bounds = array<i64: 2, 1024, 80>}, {transform_indices = @transform_1, window_bounds = array<i64: 1024, 16>}, {transform_indices = @transform_2, window_bounds = array<i64: 1024, 80>}, {pipeline_mode = #tpu.pipeline_mode<synchronous>, transform_indices = @transform_3, window_bounds = array<i64: 1, 64>}, {transform_indices = @transform_4, window_bounds = array<i64: 1024, 64>}]} {
    %iota3A = tpu.iota {dimensions = array<i32: 1>} : vector<1024x80xi32>
    %eq3A = arith.constant 64 : i32
    %eq3A_0 = vector.broadcast %eq3A : i32 to vector<1024x80xi32>
    %eq3A_1 = arith.cmpi eq, %iota3A, %eq3A_0 : vector<1024x80xi32>
    %jit3A = arith.constant 1.000000e+00 : f32
    %jit3A_2 = arith.constant 0.000000e+00 : f32
    %broadcast_in_dim3A = vector.broadcast %jit3A : f32 to vector<1024x80xf32>
    %broadcast_in_dim3A_3 = vector.broadcast %jit3A_2 : f32 to vector<1024x80xf32>
    %select_n3A = arith.select %eq3A_1, %broadcast_in_dim3A, %broadcast_in_dim3A_3 : vector<1024x80xi1>, vector<1024x80xf32>
    %get3A = arith.constant 0 : index
    %get3A_4 = arith.constant 0 : index
    %get3A_5 = arith.constant 0 : index
    %get3A_6 = vector.load %arg1[%get3A, %get3A_4, %get3A_5] : memref<2x1024x80xf32, #tpu.memory_space<vmem>>, vector<1x1024x80xf32>
    %get3A_7 = vector.shape_cast %get3A_6 : vector<1x1024x80xf32> to vector<1024x80xf32>
    %get3A_8 = arith.constant 1 : index
    %get3A_9 = arith.constant 0 : index
    %get3A_10 = arith.constant 0 : index
    %get3A_11 = vector.load %arg1[%get3A_8, %get3A_9, %get3A_10] : memref<2x1024x80xf32, #tpu.memory_space<vmem>>, vector<1x1024x80xf32>
    %get3A_12 = vector.shape_cast %get3A_11 : vector<1x1024x80xf32> to vector<1024x80xf32>
    %add3A = arith.addf %get3A_7, %get3A_12 : vector<1024x80xf32>
    %get3A_13 = arith.constant 0 : index
    %get3A_14 = arith.constant 0 : index
    %get3A_15 = vector.load %arg2[%get3A_13, %get3A_14] : memref<1024x16xf32, #tpu.memory_space<vmem>>, vector<1024x1xf32>
    %get3A_16 = arith.constant 0 : index
    %get3A_17 = arith.constant 0 : index
    %get3A_18 = vector.load %arg3[%get3A_16, %get3A_17] : memref<1024x80xf32, #tpu.memory_space<vmem>>, vector<1024x80xf32>
    %mul3A = vector.broadcast %get3A_15 : vector<1024x1xf32> to vector<1024x80xf32>
    %mul3A_19 = arith.mulf %mul3A, %get3A_18 : vector<1024x80xf32>
    %add3A_20 = arith.addf %add3A, %mul3A_19 : vector<1024x80xf32>
    %mul3A_21 = arith.mulf %add3A_20, %select_n3A : vector<1024x80xf32>
    %reduce_sum3A = arith.constant dense<0.000000e+00> : vector<1024xf32>
    %reduce_sum3A_22 = vector.multi_reduction <add>, %mul3A_21, %reduce_sum3A [1] : vector<1024x80xf32> to vector<1024xf32>
    %broadcast_in_dim3A_23 = vector.shape_cast %reduce_sum3A_22 : vector<1024xf32> to vector<1024x1xf32>
    %add3A_24 = arith.constant 1.000000e-16 : f32
    %add3A_25 = vector.broadcast %add3A_24 : f32 to vector<1024x1xf32>
    %add3A_26 = arith.addf %broadcast_in_dim3A_23, %add3A_25 : vector<1024x1xf32>
    %slice3A = vector.extract_strided_slice %add3A_20 {offsets = [0, 0], sizes = [1024, 64], strides = [1, 1]} : vector<1024x80xf32> to vector<1024x64xf32>
    %div3A = vector.broadcast %add3A_26 : vector<1024x1xf32> to vector<1024x64xf32>
    %div3A_27 = arith.divf %slice3A, %div3A : vector<1024x64xf32>
    %get3A_28 = arith.constant 0 : index
    %get3A_29 = arith.constant 0 : index
    %get3A_30 = vector.load %arg4[%get3A_28, %get3A_29] : memref<1x64xf32, #tpu.memory_space<vmem>>, vector<1x64xf32>
    %add3A_31 = vector.broadcast %get3A_30 : vector<1x64xf32> to vector<1024x64xf32>
    %add3A_32 = arith.addf %div3A_27, %add3A_31 : vector<1024x64xf32>
    %swap3A = arith.constant 0 : index
    %swap3A_33 = arith.constant 0 : index
    %swap3A_34 = vector.load %arg5[%swap3A, %swap3A_33] : memref<1024x64xf32, #tpu.memory_space<vmem>>, vector<1024x64xf32>
    tpu.vector_store %arg5[%swap3A, %swap3A_33], %add3A_32 {strides = array<i32>} : memref<1024x64xf32, #tpu.memory_space<vmem>>, vector<1024x64xf32>,
    return
  }
  func.func @transform_0(%arg0: i32) -> (i32, i32, i32) {
    %c0_i32 = arith.constant 0 : i32
    %c0_i32_0 = arith.constant 0 : i32
    %c0_i32_1 = arith.constant 0 : i32
    return %c0_i32, %arg0, %c0_i32_0 : i32, i32, i32
  }
  func.func @transform_1(%arg0: i32) -> (i32, i32) {
    %c0_i32 = arith.constant 0 : i32
    %c0_i32_0 = arith.constant 0 : i32
    return %arg0, %c0_i32 : i32, i32
  }
  func.func @transform_2(%arg0: i32) -> (i32, i32) {
    %c0_i32 = arith.constant 0 : i32
    %c0_i32_0 = arith.constant 0 : i32
    return %arg0, %c0_i32 : i32, i32
  }
  func.func @transform_3(%arg0: i32) -> (i32, i32) {
    %c0_i32 = arith.constant 0 : i32
    %c0_i32_0 = arith.constant 0 : i32
    %c0_i32_1 = arith.constant 0 : i32
    return %c0_i32, %c0_i32_0 : i32, i32
  }
  func.func @transform_4(%arg0: i32) -> (i32, i32) {
    %c0_i32 = arith.constant 0 : i32
    %c0_i32_0 = arith.constant 0 : i32
    return %arg0, %c0_i32 : i32, i32
  }
}

</mosaic_0001>

<sc_bundles>
// kernel: kernel.10.cloned.1.call-start
scs
__scs_entry_jumppad:
0x0: {  	(pc) =	sbr.rel $0x88, $3  }
0x1: {  	(tag) =	ssettag $0x0;
	lr =	simm.s32 $0x1  }
0x2: {  	[smem:$0x3F97] =	sst lr;
	_ =	strace $0xD0000000  }
0x3: {  	_ = 	snop  }
0x4: {  	_ = 	snop  }
0x5: {  	_ = 	snop  }
0x6: {  	_ = 	snop  }
0x7: {  	_ = 	snop  }
__scs_overlays_trampoline_lowered:
0x8: {  	[smem:$0x3FA6] =	sst s0  }
0x9: {  	[smem:$0x3FA7] =	sst s1  }
0xa: {  	[smem:$0x3FA8] =	sst s2  }
0xb: {  	[smem:$0x3FA9] =	sst s3  }
0xc: {  	[smem:$0x3FAA] =	sst s4  }
0xd: {  	[smem:$0x3FAB] =	sst s5  }
0xe: {  	[smem:$0x3FAC] =	sst s6  }
0xf: {  	[smem:$0x3FAD] =	sst s7  }
0x10: {  	[smem:$0x3FAE] =	sst s8  }
0x11: {  	[smem:$0x3FAF] =	sst s9;
	s0 =	simm.s32 @!p0 $0x0  }
0x12: {  	s1 =	sld [smem:$0x3F95];
	s0 =	simm.s32 @p0 $0x1  }
0x13: {  	[smem:$0x3FB0] =	sst s0;
	s0 =	simm.s32 @!p1 $0x0  }
0x14: {  	s2 =	sld [smem:$0x3F94];
	s0 =	simm.s32 @p1 $0x1  }
0x15: {  	[smem:$0x3FB1] =	sst s0;
	s0 =	simm.s32 @!p2 $0x0  }
0x16: {  	s3 =	sld [smem:$0x3FDB];
	s0 =	simm.s32 @p2 $0x1  }
0x17: {  	s4 =	simm.s32 $0x1BF5;
	[smem:$0x3FB3] =	sst s0  }
0x18: {  	s0 =	sld [smem:$0x3F96];
	_ =	swait.ge [sflag:s4], $0x0  }
0x19: {  	s7 =	sld [smem:$0x3F97]  }
0x1a: {  	s8 =	sadd.s32 $0xFFFFE003, lr  }
0x1b: {  	s9 =	sadd.s32 $0xFFFFFEF7, lr;
	s5 =	simm.s32 $0xFFFFFFFF;
	p2 =	slt.u32 s8, $0xFFFFF086  }
0x1c: {  	p1 =	slt.u32 s9, $0xF7A;
	s5 =	simm.s32 @!p2 $0x0  }
0x1d: {  	s5 =	simm.s32 @p1 $0x1;
	p0 =	seq.s32 s7, s2  }
0x1e: {  	s7 =	smul.u32 @!p0 $0xF7A, s2;
	p2 =	seq.s32 @!p0 s5, $0x0  }
0x1f: {  	s9 =	smul.u32 $0xF7A, s1;
	s8 =	simm.s32 @!p0 $0x1BF5;
	p2 =	por !p2, p0  }
0x20: {  	[sflag:s8] =	ssyncset.s32 @!p0 $0xFFFFF086;
	s6 =	sadd.s32 @!p0 s3, s7;
	s7 =	simm.s32 @!p0 $0x108  }
0x21: {  	s3 =	sadd.s32 s3, s9;
	s6 =	sadd.s32 @!p0 $0x88, s6;
	s7 =	simm.s32 @p2 $0x1082  }
0x22: {  	[simem:s7], [sflag:s8] =	dma.local @!p0 [hbm:s6], $0xF7A  }
0x23: {  	s9 =	sor.u32 $0xD0000000, s2;
	s6 =	simm.s32 $0x108;
	_ =	swait.ge @!p0 [sflag:s8], $0x0  }
0x24: {  	s3 =	sadd.s32 $0x88, s3;
	s6 =	simm.s32 @!p1 $0x1082;
	[sflag:s4] =	ssyncset.s32 $0xFFFFF086  }
0x25: {  	[simem:s6], [sflag:s4] =	dma.local [hbm:s3], $0xF7A  }
0x26: {  	[smem:$0x3F97] =	sst s1;
	(tag) =	ssettag s2;
	_ =	strace s9  }
0x27: {  	s1 =	sld [smem:$0x3FA7]  }
0x28: {  	s2 =	sld [smem:$0x3FA8]  }
0x29: {  	s4 =	sld [smem:$0x3FAA]  }
0x2a: {  	p0 =	seq.s32 s5, $0x0;
	s5 =	sld [smem:$0x3FAB]  }
0x2b: {  	s6 =	sld [smem:$0x3FAC]  }
0x2c: {  	s7 =	sld [smem:$0x3FAD]  }
0x2d: {  	s3 =	simm.s32 $0x108;
	s8 =	sld [smem:$0x3FAE]  }
0x2e: {  	s3 =	simm.s32 @!p0 $0x1082;
	s9 =	sld [smem:$0x3FAF]  }
0x2f: {  	lr =	sadd.s32 s0, s3;
	s0 =	sld [smem:$0x3FA6]  }
0x30: {  	s3 =	sld [smem:$0x3FA9]  }
0x31: {  	[smem:$0x3FB2] =	sst s10  }
0x32: {  	s10 =	sld [smem:$0x3FB0];
	_ =	sdelay $0x3  }
0x33: {  	p0 =	seq.s32 s10, $0x1;
	s10 =	sld [smem:$0x3FB2];
	_ =	sdelay $0x3  }
0x34: {  	[smem:$0x3FB2] =	sst s10  }
0x35: {  	s10 =	sld [smem:$0x3FB1];
	_ =	sdelay $0x3  }
0x36: {  	p1 =	seq.s32 s10, $0x1;
	s10 =	sld [smem:$0x3FB2];
	_ =	sdelay $0x3  }
0x37: {  	[smem:$0x3FB2] =	sst s10  }
0x38: {  	s10 =	sld [smem:$0x3FB3]  }
0x39: {  	_ = 	snop;
	(pc) =	sbr.ind lr, $3  }
0x3a: {  	_ = 	snop  }
0x3b: {  	_ = 	snop  }
0x3c: {  	p2 =	seq.s32 s10, $0x1;
	s10 =	sld [smem:$0x3FB2]  }
0x3d: {  	_ =	shalt  }
0x3e: {  	_ =	shalt  }
0x3f: {  	_ =	shalt  }
0x40: {  	_ =	shalt  }
0x41: {  	_ =	shalt  }
0x42: {  	_ =	shalt  }
0x43: {  	_ =	shalt  }
0x44: {  	_ =	shalt  }
0x45: {  	_ =	shalt  }
0x46: {  	_ =	shalt  }
0x47: {  	_ =	shalt  }
0x48: {  	_ =	shalt  }
0x49: {  	_ =	shalt  }
0x4a: {  	_ =	shalt  }
0x4b: {  	_ =	shalt  }
0x4c: {  	_ =	shalt  }
0x4d: {  	_ =	shalt  }
0x4e: {  	_ =	shalt  }
0x4f: {  	_ =	shalt  }
0x50: {  	_ =	shalt  }
0x51: {  	_ =	shalt  }
0x52: {  	_ =	shalt  }
0x53: {  	_ =	shalt  }
0x54: {  	_ =	shalt  }
0x55: {  	_ =	shalt  }
0x56: {  	_ =	shalt  }
0x57: {  	_ =	shalt  }
0x58: {  	_ =	shalt  }
0x59: {  	_ =	shalt  }
0x5a: {  	_ =	shalt  }
0x5b: {  	_ =	shalt  }
0x5c: {  	_ =	shalt  }
0x5d: {  	_ =	shalt  }
0x5e: {  	_ =	shalt  }
0x5f: {  	_ =	shalt  }
0x60: {  	_ =	shalt  }
0x61: {  	_ =	shalt  }
0x62: {  	_ =	shalt  }
0x63: {  	_ =	shalt  }
0x64: {  	_ =	shalt  }
0x65: {  	_ =	shalt  }
0x66: {  	_ =	shalt  }
0x67: {  	_ =	shalt  }
0x68: {  	_ =	shalt  }
0x69: {  	_ =	shalt  }
0x6a: {  	_ =	shalt  }
0x6b: {  	_ =	shalt  }
0x6c: {  	_ =	shalt  }
0x6d: {  	_ =	shalt  }
0x6e: {  	_ =	shalt  }
0x6f: {  	_ =	shalt  }
0x70: {  	_ =	shalt  }
0x71: {  	_ =	shalt  }
0x72: {  	_ =	shalt  }
0x73: {  	_ =	shalt  }
0x74: {  	_ =	shalt  }
0x75: {  	_ =	shalt  }
0x76: {  	_ =	shalt  }
0x77: {  	_ =	shalt  }
0x78: {  	_ =	shalt  }
0x79: {  	_ =	shalt  }
0x7a: {  	_ =	shalt  }
0x7b: {  	_ =	shalt  }
0x7c: {  	_ =	shalt  }
0x7d: {  	_ =	shalt  }
0x7e: {  	_ =	shalt  }
0x7f: {  	_ =	shalt  }
0x80: {  	_ =	shalt  }
0x81: {  	_ =	shalt  }
0x82: {  	_ =	shalt  }
0x83: {  	_ =	shalt  }
0x84: {  	_ =	shalt  }
0x85: {  	_ =	shalt  }
0x86: {  	_ =	shalt  }
0x87: {  	_ =	shalt  }
.Lfunc_end0:
.L_simem_size_0:
called_computation.1_lowered:
.L_overlay_start_0:
0x88: {  	s2 =	sld [smem:$0x3FD9]  }
0x89: {  	s3 =	sld [smem:$0x3FFE];
	_ =	sdelay $0x1  }
0x8a: {  	s1 =	srdreg.scid  }
0x8b: {  	s0 =	sand.u32 $0x1, s1  }
0x8c: {  	s17 =	sshll.u32 s0, $0xA;
	s2 =	sadd.s32 s3, s2  }
0x8d: {  	s2 =	sadd.s32 s2, s17  }
0x8e: {  	[smem:$0x3FBE] =	sst s2  }
0x8f: {  	_ = 	snop  }
0x90: {  	s2 =	sld [smem:$0x3FD0];
	(tm) =	ssettm $0x1  }
0x91: {  	s18 =	sld [smem:$0x3FFB];
	_ =	sdelay $0x3  }
0x92: {  	_ =	strace s18  }
0x93: {  	s3 =	sld [smem:$0x3FFC];
	_ =	sdelay $0x3  }
0x94: {  	_ =	strace s3  }
0x95: {  	s3 =	sld [smem:$0x3FFD];
	_ =	sdelay $0x3  }
0x96: {  	_ =	strace s3  }
0x97: {  	_ =	strace $0x8FFFFFFF  }
0x98: {  	s19 =	sld [smem:$0x3FDB];
	_ =	sdelay $0x1  }
0x99: {  	s4 =	simm.s32 $_scs_section_size  }
0x9a: {  	s5 =	simm.s32 $_size__tile_overlayer_lowered;
	s6 =	simm.s32 $_tile_overlayer_lowered  }
0x9b: {  	s22 =	simm.s32 $0x1BFF;
	s21 =	sshll.u32 s6, $0x1;
	s3 =	sadd.s32 s4, s19  }
0x9c: {  	s7 =	simm.s32 $0x0;
	s20 =	sshll.u32 s5, $0x1;
	s5 =	sadd.s32 s21, s3  }
0x9d: {  	[timem:s7], [sflag:s22] =	dma.local [hbm:s5], s20  }
0x9e: {  	_ =	swait.ge [sflag:s22], s20  }
0x9f: {  	s4 =	ssub.s32 $0x0, s20;
	[sflag:s22] =	ssyncset.done $0x0  }
0xa0: {  	[sflag:s22] =	ssyncadd.s32 s4;
	_ =	sdelay $0x1  }
0xa1: {  	s23 =	simm.s32 $0x1B8B  }
0xa2: {  	_ =	swait.ge [sflag:s23], $0x1  }
0xa3: {  	[sflag:s23] =	ssyncset.done $0x0  }
0xa4: {  	s25 =	simm.s32 $0x1B8E;
	s24 =	sld [smem:$0x3FFE];
	[sflag:s23] =	ssyncadd.s32 $0xFFFFFFFF  }
0xa5: {  	s26 =	simm.s32 $execute0_lowered;
	[smem:$0x3FD2] =	sst s25  }
0xa6: {  	s5 =	sshll.u32 s26, $0x1;
	_ =	strace $0x80000049;
	[dreg:$0x1] =	wrdreg $0xFFFFFFFF  }
0xa7: {  	s28 =	simm.s32 $_size_execute0_lowered;
	s3 =	sadd.s32 s3, s5;
	[dreg:$0x0] =	wrdreg $0x0  }
0xa8: {  	s5 =	sshll.u32 s28, $0x1;
	[dreg:$0x2] =	wrdreg s3  }
0xa9: {  	[dreg:$0x3] =	wrdreg s5  }
0xaa: {  	[dreg:$0x4] =	wrdreg $0xC0  }
0xab: {  	_ =	task [dreg:s7], $0x5FFFF  }
0xac: {  	[dreg:$0x1] =	wrdreg $0xFFFFFFFF  }
0xad: {  	[dreg:$0x0] =	wrdreg $0x60  }
0xae: {  	[dreg:$0x2] =	wrdreg s24  }
0xaf: {  	[dreg:$0x3] =	wrdreg s2  }
0xb0: {  	[dreg:$0x4] =	wrdreg $0x64C00  }
0xb1: {  	[dreg:$0x5] =	wrdreg $0x9  }
0xb2: {  	_ =	task.clear_ibuf [dreg:s7], $0x6FFFF;
	_ =	strace $0x90000049  }
0xb3: {  	s29 =	simm.s32 $0x9;
	_ =	strace $0x8000004B  }
0xb4: {  	_ =	swait.ge [sflag:s29], $0x1  }
0xb5: {  	[sflag:s29] =	ssyncadd.s32 $0xFFFFFFFF  }
0xb6: {  	_ =	strace $0x9000004B  }
0xb7: {  	_ =	sfence  }
0xb8: {  	s30 =	sld [smem:$0x0];
	_ =	sdelay $0x2  }
0xb9: {  	s31 =	sshll.u32 s1, $0xD;
	s1 =	sshrl.u32 s1, $0x2  }
0xba: {  	s3 =	sand.u32 $0x4000, s31;
	s1 =	sadd.s32 s1, s30  }
0xbb: {  	s0 =	sor.u32 s3, s0;
	s1 =	sshll.u32 s1, $0x11  }
0xbc: {  	s0 =	sor.u32 s1, s0  }
0xbd: {  	s0 =	sadd.s32 $0x8F2B, s0  }
0xbe: {  	[sflag:s0] =	ssyncadd.remote.s32 $0x1  }
0xbf: {  	_ =	sfence.sel $0xFFFF  }
0xc0: {  	[dreg:$0x0] =	wrdreg $0xFFFFFFFF;
	(pc) =	sbr.abs _section_cstart, $3  }
0xc1: {  	[dreg:$0x1] =	wrdreg $0xFFFFFFFF  }
0xc2: {  	_ =	task.clear_ibuf [dreg:s7], $0x2FFFF;
	_ =	strace $0x9FFFFFFF  }
0xc3: {  	(tm) =	ssettm $0x7FFFFFFF  }
tec
execute0_lowered:
.L_overlay_start_1:
0x0: {  	(tag) =	ssettag $0x1  }
0x1: {  	s0 =	rddreg [dreg:$0x0]  }
0x2: {  	s2 =	rddreg [dreg:$0x1]  }
0x3: {  	s3 =	rddreg [dreg:$0x2]  }
0x4: {  	s1 =	srdreg.scid;
	s10 =	stileid.u32  }
0x5: {  	s5 =	simm.s32 $0x0;
	s28 =	simm.s32 $0x40;
	s29 =	simm.s32 $0x1  }
0x6: {  	s30 =	simm.s32 $0x6480;
	s31 =	simm.s32 $0x0;
	s1 =	sand.u32 $0x1, s1  }
0x7: {  	s4 =	smul.u32 $0xC800, s10;
	[smem:$0x7FF] =	sst s5;
	s5 =	sadd.s32 $0xAC00, s0  }
0x8: {  	s7 =	sadd.s32 $0xA000, s0;
	s22 =	sadd.s32 $0xA600, s0;
	s9 =	smul.u32 $0x32000, s10  }
0x9: {  	s8 =	sadd.s32 $0x200, s0;
	_ =	strace $0x8000004A;
	[dreg:$0x4] =	wrdreg s7  }
0xa: {  	s6 =	smul.u32 $0xC8000, s1;
	[dreg:$0x5] =	wrdreg s22;
	s23 =	ssub.s32 $0x2, s1  }
0xb: {  	s1 =	sshll.u32 s1, $0x4;
	s22 =	simm.s32 $0x2;
	s24 =	sshrl.u32 s23, $0x1  }
0xc: {  	s25 =	sshrl.u32 s9, $0x2;
	s1 =	sor.u32 s10, s1;
	s9 =	sadd.s32 s4, s3  }
0xd: {  	s6 =	sadd.s32 s4, s6;
	s26 =	sadd.s32 s25, s3;
	s19 =	smul.u32 $0x2740, s1  }
0xe: {  	s25 =	simm.s32 $0x5000;
	s6 =	sshrl.u32 s6, $0x3;
	s10 =	sadd.s32 $0x1400, s26  }
0xf: {  	s11 =	sadd.s32 $0x2800, s26;
	s12 =	sadd.s32 $0x3C00, s26;
	s13 =	sadd.s32 $0x5000, s26  }
0x10: {  	s14 =	sadd.s32 $0x6400, s26;
	s15 =	sadd.s32 $0x7800, s26;
	s16 =	sadd.s32 $0x8C00, s26  }
0x11: {  	s17 =	sadd.s32 $0xA000, s26;
	s18 =	sadd.s32 $0xB400, s26;
	s26 =	simm.s32 $0x5040  }
0x12: {  	s0 =	sadd.s32 s6, s0;
	s6 =	ssub.s32 s23, s24;
	s23 =	simm.s32 $0x2800  }
0x13: {  	v0 =	vimm.f32 $0.0e+00;
	s24 =	simm.s32 $0x5080;
	s20 =	sadd.s32 $0x23C00, s0;
	s21 =	smax.u32 s6, $0x1  }
.LBB2_1:
0x14: {  	s0 =	simm.s32 $0x0;
	s1 =	rddreg [dreg:$0x4]  }
0x15: {  	[tilespmem:s0], [sflag:$0x2] =	stream.linear.gather [hbm4b:s1+s0], $0x2800, $0x38;
	[tilespmem:$0x12CC0] =	vst v63  }
0x16: {  	_ =	swait.ge [sflag:s22], $0x2800  }
0x17: {  	[sflag:s22] =	ssyncset.done $0x0  }
0x18: {  	s7 =	rddreg [dreg:$0x5];
	[sflag:s22] =	ssyncadd.s32 $0xFFFFD800  }
0x19: {  	[tilespmem:s23], [sflag:$0x2] =	stream.linear.gather [hbm4b:s7+s0], $0x2800, $0x38;
	[tilespmem:$0x12CC0] =	vst v63  }
0x1a: {  	_ =	swait.ge [sflag:s22], $0x2800  }
0x1b: {  	[sflag:s22] =	ssyncset.done $0x0  }
0x1c: {  	s1 =	simm.s32 $0x140;
	s0 =	simm.s32 $0x0;
	[sflag:s22] =	ssyncadd.s32 $0xFFFFD800  }
.LBB2_2:
0x1d: {  	p0 =	sne.s32 s1, $0x4EC0;
	[tilespmem:s0+$0x50C0] =	vst v0;
	s4 =	smov.u32 s1;
	s1 =	sadd.s32 $0x140, s1  }
.Ltmp0:
0x1e: {  	[tilespmem:s0+$0x50B0] =	vst v0;
	(pc) =	sbr.rel @p0 .LBB2_2-.Ltmp0, $4  }
0x1f: {  	[tilespmem:s0+$0x50A0] =	vst v0  }
0x20: {  	[tilespmem:s0+$0x5080] =	vst v0  }
0x21: {  	[tilespmem:s0+$0x5090] =	vst v0  }
0x22: {  	s0 =	sshra.s32 s4, $0x2  }
0x23: {  	[tilespmem:s0+$0x50C0] =	vst v0  }
0x24: {  	[tilespmem:s0+$0x50B0] =	vst v0  }
0x25: {  	[tilespmem:s0+$0x50A0] =	vst v0  }
0x26: {  	[tilespmem:s0+$0x5080] =	vst v0  }
0x27: {  	[tilespmem:s0+$0x5090] =	vst v0  }
0x28: {  	[spmem:s9] =	stream.linear.scatter [tilespmem:s24], [sflag:$0x2], $0x1400, $0x38;
	[tilespmem:$0x12CC0] =	vst v63  }
0x29: {  	_ =	swait.ge [sflag:s22], $0x1400  }
0x2a: {  	[sflag:s22] =	ssyncset.done $0x0  }
0x2b: {  	[sflag:s22] =	ssyncadd.s32 $0xFFFFEC00  }
0x2c: {  	[spmem:s10] =	stream.linear.scatter [tilespmem:s24], [sflag:$0x2], $0x1400, $0x38;
	[tilespmem:$0x12CC0] =	vst v63  }
0x2d: {  	_ =	swait.ge [sflag:s22], $0x1400  }
0x2e: {  	[sflag:s22] =	ssyncset.done $0x0  }
0x2f: {  	[sflag:s22] =	ssyncadd.s32 $0xFFFFEC00  }
0x30: {  	[spmem:s11] =	stream.linear.scatter [tilespmem:s24], [sflag:$0x2], $0x1400, $0x38;
	[tilespmem:$0x12CC0] =	vst v63  }
0x31: {  	_ =	swait.ge [sflag:s22], $0x1400  }
0x32: {  	[sflag:s22] =	ssyncset.done $0x0  }
0x33: {  	[sflag:s22] =	ssyncadd.s32 $0xFFFFEC00  }
0x34: {  	[spmem:s12] =	stream.linear.scatter [tilespmem:s24], [sflag:$0x2], $0x1400, $0x38;
	[tilespmem:$0x12CC0] =	vst v63  }
0x35: {  	_ =	swait.ge [sflag:s22], $0x1400  }
0x36: {  	[sflag:s22] =	ssyncset.done $0x0  }
0x37: {  	[sflag:s22] =	ssyncadd.s32 $0xFFFFEC00  }
0x38: {  	[spmem:s13] =	stream.linear.scatter [tilespmem:s24], [sflag:$0x2], $0x1400, $0x38;
	[tilespmem:$0x12CC0] =	vst v63  }
0x39: {  	_ =	swait.ge [sflag:s22], $0x1400  }
0x3a: {  	[sflag:s22] =	ssyncset.done $0x0  }
0x3b: {  	[sflag:s22] =	ssyncadd.s32 $0xFFFFEC00  }
0x3c: {  	[spmem:s14] =	stream.linear.scatter [tilespmem:s24], [sflag:$0x2], $0x1400, $0x38;
	[tilespmem:$0x12CC0] =	vst v63  }
0x3d: {  	_ =	swait.ge [sflag:s22], $0x1400  }
0x3e: {  	[sflag:s22] =	ssyncset.done $0x0  }
0x3f: {  	[sflag:s22] =	ssyncadd.s32 $0xFFFFEC00  }
0x40: {  	[spmem:s15] =	stream.linear.scatter [tilespmem:s24], [sflag:$0x2], $0x1400, $0x38;
	[tilespmem:$0x12CC0] =	vst v63  }
0x41: {  	_ =	swait.ge [sflag:s22], $0x1400  }
0x42: {  	[sflag:s22] =	ssyncset.done $0x0  }
0x43: {  	[sflag:s22] =	ssyncadd.s32 $0xFFFFEC00  }
0x44: {  	[spmem:s16] =	stream.linear.scatter [tilespmem:s24], [sflag:$0x2], $0x1400, $0x38;
	[tilespmem:$0x12CC0] =	vst v63  }
0x45: {  	_ =	swait.ge [sflag:s22], $0x1400  }
0x46: {  	[sflag:s22] =	ssyncset.done $0x0  }
0x47: {  	[sflag:s22] =	ssyncadd.s32 $0xFFFFEC00  }
0x48: {  	[spmem:s17] =	stream.linear.scatter [tilespmem:s24], [sflag:$0x2], $0x1400, $0x38;
	[tilespmem:$0x12CC0] =	vst v63  }
0x49: {  	_ =	swait.ge [sflag:s22], $0x1400  }
0x4a: {  	[sflag:s22] =	ssyncset.done $0x0  }
0x4b: {  	[sflag:s22] =	ssyncadd.s32 $0xFFFFEC00  }
0x4c: {  	[spmem:s18] =	stream.linear.scatter [tilespmem:s24], [sflag:$0x2], $0x1400, $0x38;
	[tilespmem:$0x12CC0] =	vst v63  }
0x4d: {  	_ =	swait.ge [sflag:s22], $0x1400  }
0x4e: {  	[sflag:s22] =	ssyncset.done $0x0  }
0x4f: {  	[sflag:s22] =	ssyncadd.s32 $0xFFFFEC00  }
0x50: {  	s0 =	simm.s32 $0x0;
	s1 =	simm.s32 $0x0;
	[bflag:$0x0] =	sbarrier.arrive $0xFFFF  }
.LBB2_4:
0x51: {  	s4 =	sshll.u32 s1, $0x6  }
0x52: {  	s4 =	sadd.s32 s19, s4  }
0x53: {  	s6 =	sshrl.u32 s4, $0x3  }
0x54: {  	s7 =	sadd.s32 s2, s6  }
0x55: {  	[tilespmem:s25], [sflag:$0x2] =	stream.linear.gather [hbm4b:s7+s0], $0x40, $0x38;
	[tilespmem:$0x12CC0] =	vst v63  }
0x56: {  	_ =	swait.ge [sflag:s22], $0x40  }
0x57: {  	[sflag:s22] =	ssyncset.done $0x0  }
0x58: {  	s6 =	sadd.s32 s8, s6;
	[sflag:s22] =	ssyncadd.s32 $0xFFFFFFC0  }
0x59: {  	[tilespmem:s26], [sflag:$0x2] =	stream.linear.gather [hbm4b:s6+s0], $0x40, $0x38;
	[tilespmem:$0x12CC0] =	vst v63  }
0x5a: {  	_ =	swait.ge [sflag:s22], $0x40  }
0x5b: {  	[sflag:s22] =	ssyncset.done $0x0  }
0x5c: {  	[sflag:s22] =	ssyncadd.s32 $0xFFFFFFC0  }
0x5d: {  	[tilespmem:s24], [sflag:$0x1] =	stream.indirect.gather [hbm4b:s5+s28], $0x50, s25, s28, $0xb8;
	[tilespmem:$0x12CC0] =	vst v63  }
0x5e: {  	v1 =	vld [tilespmem:$0x5000]  }
0x5f: {  	v2 =	vld [tilespmem:$0x5040];
	_ =	sdelay $0x6  }
0x60: {  	v1 =	vld.idx.msk [tilespmem:v1+s0+$0x0], $0xffff  }
0x61: {  	v2 =	vld.idx.msk [tilespmem:v2+s23+$0x0], $0xffff;
	_ =	sdelay $0x4  }
0x62: {  	v1 =	vadd.f32 v2, v1;
	_ =	sdelay $0x1  }
0x63: {  	v2 =	vmul.f32 $2.000000030e-01, v1;
	_ =	sdelay $0x1  }
0x64: {  	v1 =	vmax.f32 v1, v2  }
0x65: {  	v1 =	vmul.f32 $1.442695020e+00, v1;
	_ =	sdelay $0x1  }
0x66: {  	(erf) = vpow2.f32 v1;
	_ =	sdelay $0x3  }
0x67: {  	v1 =	vld [tilespmem:$0x5010]  }
0x68: {  	v2 =	vld [tilespmem:$0x5050];
	_ =	sdelay $0x3  }
0x69: {  	p0 =	slt.u32 s4, $0x4E200;
	v3 =	vpop (erf)  }
0x6a: {  	v3 =	vpsel !p0, $0x0, v3  }
0x6b: {  	[tilespmem:$0x6480] =	vst v3  }
0x6c: {  	v1 =	vld.idx.msk [tilespmem:v1+s0+$0x0], $0xffff  }
0x6d: {  	v2 =	vld.idx.msk [tilespmem:v2+s23+$0x0], $0xffff;
	_ =	sdelay $0x4  }
0x6e: {  	v1 =	vadd.f32 v2, v1;
	_ =	sdelay $0x1  }
0x6f: {  	v2 =	vmul.f32 $2.000000030e-01, v1;
	_ =	sdelay $0x1  }
0x70: {  	v1 =	vmax.f32 v1, v2  }
0x71: {  	v1 =	vmul.f32 $1.442695020e+00, v1;
	_ =	sdelay $0x1  }
0x72: {  	(erf) = vpow2.f32 v1;
	_ =	sdelay $0x3  }
0x73: {  	v1 =	vld [tilespmem:$0x5020]  }
0x74: {  	v2 =	vld [tilespmem:$0x5060];
	_ =	sdelay $0x2  }
0x75: {  	s7 =	sor.u32 $0x10, s4  }
0x76: {  	p4 =	slt.u32 s7, $0x4E200;
	v3 =	vpop (erf)  }
0x77: {  	v3 =	vpsel !p4, $0x0, v3  }
0x78: {  	[tilespmem:$0x6490] =	vst v3  }
0x79: {  	v1 =	vld.idx.msk [tilespmem:v1+s0+$0x0], $0xffff  }
0x7a: {  	v2 =	vld.idx.msk [tilespmem:v2+s23+$0x0], $0xffff;
	_ =	sdelay $0x4  }
0x7b: {  	v1 =	vadd.f32 v2, v1;
	_ =	sdelay $0x1  }
0x7c: {  	v2 =	vmul.f32 $2.000000030e-01, v1;
	_ =	sdelay $0x1  }
0x7d: {  	v1 =	vmax.f32 v1, v2  }
0x7e: {  	v1 =	vmul.f32 $1.442695020e+00, v1;
	_ =	sdelay $0x1  }
0x7f: {  	(erf) = vpow2.f32 v1;
	_ =	sdelay $0x3  }
0x80: {  	v1 =	vld [tilespmem:$0x5030]  }
0x81: {  	v2 =	vld [tilespmem:$0x5070];
	_ =	sdelay $0x2  }
0x82: {  	s7 =	sor.u32 $0x20, s4  }
0x83: {  	p5 =	slt.u32 s7, $0x4E200;
	v3 =	vpop (erf)  }
0x84: {  	v3 =	vpsel !p5, $0x0, v3  }
0x85: {  	[tilespmem:$0x64A0] =	vst v3  }
0x86: {  	v1 =	vld.idx.msk [tilespmem:v1+s0+$0x0], $0xffff  }
0x87: {  	v2 =	vld.idx.msk [tilespmem:v2+s23+$0x0], $0xffff;
	_ =	sdelay $0x4  }
0x88: {  	v1 =	vadd.f32 v2, v1;
	_ =	sdelay $0x1  }
0x89: {  	v2 =	vmul.f32 $2.000000030e-01, v1;
	_ =	sdelay $0x1  }
0x8a: {  	v1 =	vmax.f32 v1, v2  }
0x8b: {  	v1 =	vmul.f32 $1.442695020e+00, v1;
	_ =	sdelay $0x1  }
0x8c: {  	(erf) = vpow2.f32 v1;
	_ =	sdelay $0x7  }
0x8d: {  	s4 =	sor.u32 $0x30, s4  }
0x8e: {  	p6 =	slt.u32 s4, $0x4E200;
	v1 =	vpop (erf)  }
0x8f: {  	v1 =	vpsel !p6, $0x0, v1  }
0x90: {  	[tilespmem:$0x64B0] =	vst v1  }
0x91: {  	v1 =	vmov s0;
	_ =	swait.ge [sflag:s29], $0x1400  }
0x92: {  	[sflag:s29] =	ssyncset.done $0x0  }
0x93: {  	s4 =	simm.s32 $0x50A0;
	[sflag:s29] =	ssyncadd.s32 $0xFFFFEC00  }
0x94: {  	v2 =	vld [tilespmem:s4+$0xFFFFFFF0]  }
0x95: {  	v3 =	vld [tilespmem:s4+$0x10]  }
0x96: {  	v6 =	vld.idx.msk [tilespmem:v1+s30+$0x0], $0xffff  }
0x97: {  	v1 =	vld [tilespmem:s4+$0xFFFFFFE0]  }
0x98: {  	v5 =	vld [tilespmem:s4+$0x0]  }
0x99: {  	v7 =	vld [tilespmem:s4+$0x20];
	_ =	sdelay $0x2  }
0x9a: {  	v8 =	vmul.f32 v1, v6  }
0x9b: {  	s7 =	simm.s32 $0x1;
	v4 =	vmul.f32 v2, v6;
	v5 =	vmul.f32 v5, v6  }
0x9c: {  	s6 =	simm.s32 $0x50A0;
	v2 =	vmul.f32 v3, v6;
	v1 =	vmov s7;
	s7 =	simm.s32 $0x2;
	v3 =	vmul.f32 v7, v6;
	[tilespmem:s4+$0xFFFFFFE0] =	vst v8  }
.LBB2_5:
0x9d: {  	p0 =	sne.s32 s7, $0x3F;
	[tilespmem:s4+$0xFFFFFFF0] =	vst v4  }
0x9e: {  	s4 =	sadd.s32 $0x50, s4;
	[tilespmem:s6+$0x0] =	vst v5  }
0x9f: {  	v4 =	vld [tilespmem:s4+$0xFFFFFFF0];
	[tilespmem:s6+$0x10] =	vst v2  }
0xa0: {  	v2 =	vld [tilespmem:s4+$0x10];
	[tilespmem:s6+$0x20] =	vst v3;
	s6 =	smov.u32 s4  }
0xa1: {  	v3 =	vld.idx.msk [tilespmem:v1+s30+$0x0], $0xffff  }
0xa2: {  	v1 =	vld [tilespmem:s4+$0xFFFFFFE0]  }
0xa3: {  	v5 =	vld [tilespmem:s4+$0x0]  }
0xa4: {  	v6 =	vld [tilespmem:s4+$0x20]  }
.Ltmp1:
0xa5: {  	(pc) =	sbr.rel @p0 .LBB2_5-.Ltmp1, $4  }
0xa6: {  	_ = 	snop  }
0xa7: {  	v4 =	vmul.f32 v4, v3;
	v7 =	vmul.f32 v1, v3  }
0xa8: {  	v2 =	vmul.f32 v2, v3;
	v5 =	vmul.f32 v5, v3  }
0xa9: {  	v1 =	vmov s7;
	s7 =	sadd.s32 $0x1, s7;
	[tilespmem:s4+$0xFFFFFFE0] =	vst v7;
	v3 =	vmul.f32 v6, v3  }
0xaa: {  	[tilespmem:s4+$0xFFFFFFF0] =	vst v4  }
0xab: {  	s7 =	sadd.s32 $0x50, s4;
	[tilespmem:s6+$0x0] =	vst v5  }
0xac: {  	v4 =	vld [tilespmem:s7+$0xFFFFFFF0];
	[tilespmem:s6+$0x10] =	vst v2  }
0xad: {  	v2 =	vld [tilespmem:s7+$0x10]  }
0xae: {  	[tilespmem:s6+$0x20] =	vst v3;
	v3 =	vld [tilespmem:s7+$0xFFFFFFE0]  }
0xaf: {  	v1 =	vld.idx.msk [tilespmem:v1+s30+$0x0], $0xffff;
	_ =	sdelay $0x1  }
0xb0: {  	v5 =	vld [tilespmem:s7+$0x0];
	_ =	sdelay $0x1  }
0xb1: {  	v6 =	vld [tilespmem:s7+$0x20]  }
0xb2: {  	v3 =	vmul.f32 v3, v1  }
0xb3: {  	v4 =	vmul.f32 v4, v1  }
0xb4: {  	v5 =	vmul.f32 v5, v1;
	[tilespmem:s7+$0xFFFFFFE0] =	vst v3  }
0xb5: {  	v2 =	vmul.f32 v2, v1;
	[tilespmem:s7+$0xFFFFFFF0] =	vst v4  }
0xb6: {  	s1 =	sadd.s32 $0x1, s1;
	v1 =	vmul.f32 v6, v1;
	[tilespmem:s7+$0x0] =	vst v5  }
0xb7: {  	p0 =	sne.s32 s1, $0x9D;
	[tilespmem:s7+$0x10] =	vst v2  }
.Ltmp2:
0xb8: {  	[tilespmem:s7+$0x20] =	vst v1;
	(pc) =	sbr.rel @p0 .LBB2_4-.Ltmp2, $4  }
0xb9: {  	[spmem:s3] =	stream.indirect.scatter.add.f32 [tilespmem:s24], [sflag:$0x2], $0x50, s26, s28, $0xb8;
	[tilespmem:$0x12CC0] =	vst v63  }
0xba: {  	_ =	swait.ge [sflag:s22], $0x1400  }
0xbb: {  	[sflag:s22] =	ssyncset.done $0x0  }
0xbc: {  	[sflag:s22] =	ssyncadd.s32 $0xFFFFEC00  }
0xbd: {  	s0 =	stileid.u32;
	s31 =	sadd.s32 $0x1, s31  }
0xbe: {  	[bflag:$0x0] =	sbarrier.arrive $0xFFFF;
	s0 =	sshll.u32 s0, $0x6;
	p0 =	sne.s32 s31, s21  }
.Ltmp3:
0xbf: {  	s1 =	sshrl.u32 s9, $0x3;
	s0 =	sor.u32 $0x1C02, s0;
	(pc) =	sbr.rel @p0 .LBB2_1-.Ltmp3, $4  }
0xc0: {  	[hbm:s20], [sflag:s0] =	dma.local [spmem:s1], $0x1900  }
0xc1: {  	_ =	swait.ge [sflag:s22], $0x1900  }
0xc2: {  	[sflag:s22] =	ssyncset.done $0x0  }
0xc3: {  	[sflag:s22] =	ssyncadd.s32 $0xFFFFE700  }
0xc4: {  	_ =	sfence.sel $0x180000  }
0xc5: {  	[bflag:$0x0] =	sbarrier.arrive $0xFFFF  }
0xc6: {  	_ =	strace $0x9000004A  }
0xc7: {  	s0 =	stileid.u32;
	[bflag:$0x2] =	sbarrier.arrive $0xFFFF  }
0xc8: {  	p0 =	sne.s32 s0, $0x0;
	s0 =	rddreg [dreg:$0x3]  }
0xc9: {  	s0 =	sadd.s32 @!p0 $0x100000, s0  }
0xca: {  	[sflag:s0] =	ssyncadd.tile.s32 @!p0 $0x1;
	_ =	shalt  }
.Lfunc_end2:
_tile_overlayer_lowered:
.L_overlay_start_2:
0xcb: {  	(tag) =	ssettag $0x2  }
0xcc: {  	s0 =	rddreg [dreg:$0x0];
	s2 =	stileid.u32  }
0xcd: {  	s1 =	rddreg [dreg:$0x1];
	p0 =	sne.s32 s2, $0x0  }
0xce: {  	s3 =	rddreg [dreg:$0x2];
	[bflag:$0x3] =	sbarrier.arrive $0xFFFF;
	s2 =	simm.s32 @!p0 $0x1C02  }
0xcf: {  	[timem:s3], [sflag:s2] =	dma.local @!p0 [hbm:s0], s1  }
0xd0: {  	s0 =	simm.s32 @!p0 $0x2  }
0xd1: {  	_ =	swait.ge @!p0 [sflag:s0], s1  }
0xd2: {  	s1 =	ssub.s32 @!p0 $0x0, s1;
	[sflag:s0] =	ssyncset.done @!p0 $0x0  }
0xd3: {  	[sflag:s0] =	ssyncadd.s32 @!p0 s1  }
0xd4: {  	[bflag:$0x3] =	sbarrier.arrive $0xFFFF  }
0xd5: {  	_ =	shalt  }

// kernel: kernel.7.cloned.1.call-start
scs
__scs_entry_jumppad:
0x0: {  	(pc) =	sbr.rel $0x88, $3  }
0x1: {  	(tag) =	ssettag $0x0;
	lr =	simm.s32 $0x1  }
0x2: {  	[smem:$0x3F97] =	sst lr;
	_ =	strace $0xD0000000  }
0x3: {  	_ = 	snop  }
0x4: {  	_ = 	snop  }
0x5: {  	_ = 	snop  }
0x6: {  	_ = 	snop  }
0x7: {  	_ = 	snop  }
__scs_overlays_trampoline_lowered:
0x8: {  	[smem:$0x3FA6] =	sst s0  }
0x9: {  	[smem:$0x3FA7] =	sst s1  }
0xa: {  	[smem:$0x3FA8] =	sst s2  }
0xb: {  	[smem:$0x3FA9] =	sst s3  }
0xc: {  	[smem:$0x3FAA] =	sst s4  }
0xd: {  	[smem:$0x3FAB] =	sst s5  }
0xe: {  	[smem:$0x3FAC] =	sst s6  }
0xf: {  	[smem:$0x3FAD] =	sst s7  }
0x10: {  	[smem:$0x3FAE] =	sst s8  }
0x11: {  	[smem:$0x3FAF] =	sst s9;
	s0 =	simm.s32 @!p0 $0x0  }
0x12: {  	s1 =	sld [smem:$0x3F95];
	s0 =	simm.s32 @p0 $0x1  }
0x13: {  	[smem:$0x3FB0] =	sst s0;
	s0 =	simm.s32 @!p1 $0x0  }
0x14: {  	s2 =	sld [smem:$0x3F94];
	s0 =	simm.s32 @p1 $0x1  }
0x15: {  	[smem:$0x3FB1] =	sst s0;
	s0 =	simm.s32 @!p2 $0x0  }
0x16: {  	s3 =	sld [smem:$0x3FDB];
	s0 =	simm.s32 @p2 $0x1  }
0x17: {  	s4 =	simm.s32 $0x1BF5;
	[smem:$0x3FB3] =	sst s0  }
0x18: {  	s0 =	sld [smem:$0x3F96];
	_ =	swait.ge [sflag:s4], $0x0  }
0x19: {  	s7 =	sld [smem:$0x3F97]  }
0x1a: {  	s8 =	sadd.s32 $0xFFFFE003, lr  }
0x1b: {  	s9 =	sadd.s32 $0xFFFFFEF7, lr;
	s5 =	simm.s32 $0xFFFFFFFF;
	p2 =	slt.u32 s8, $0xFFFFF086  }
0x1c: {  	p1 =	slt.u32 s9, $0xF7A;
	s5 =	simm.s32 @!p2 $0x0  }
0x1d: {  	s5 =	simm.s32 @p1 $0x1;
	p0 =	seq.s32 s7, s2  }
0x1e: {  	s7 =	smul.u32 @!p0 $0xF7A, s2;
	p2 =	seq.s32 @!p0 s5, $0x0  }
0x1f: {  	s9 =	smul.u32 $0xF7A, s1;
	s8 =	simm.s32 @!p0 $0x1BF5;
	p2 =	por !p2, p0  }
0x20: {  	[sflag:s8] =	ssyncset.s32 @!p0 $0xFFFFF086;
	s6 =	sadd.s32 @!p0 s3, s7;
	s7 =	simm.s32 @!p0 $0x108  }
0x21: {  	s3 =	sadd.s32 s3, s9;
	s6 =	sadd.s32 @!p0 $0x88, s6;
	s7 =	simm.s32 @p2 $0x1082  }
0x22: {  	[simem:s7], [sflag:s8] =	dma.local @!p0 [hbm:s6], $0xF7A  }
0x23: {  	s9 =	sor.u32 $0xD0000000, s2;
	s6 =	simm.s32 $0x108;
	_ =	swait.ge @!p0 [sflag:s8], $0x0  }
0x24: {  	s3 =	sadd.s32 $0x88, s3;
	s6 =	simm.s32 @!p1 $0x1082;
	[sflag:s4] =	ssyncset.s32 $0xFFFFF086  }
0x25: {  	[simem:s6], [sflag:s4] =	dma.local [hbm:s3], $0xF7A  }
0x26: {  	[smem:$0x3F97] =	sst s1;
	(tag) =	ssettag s2;
	_ =	strace s9  }
0x27: {  	s1 =	sld [smem:$0x3FA7]  }
0x28: {  	s2 =	sld [smem:$0x3FA8]  }
0x29: {  	s4 =	sld [smem:$0x3FAA]  }
0x2a: {  	p0 =	seq.s32 s5, $0x0;
	s5 =	sld [smem:$0x3FAB]  }
0x2b: {  	s6 =	sld [smem:$0x3FAC]  }
0x2c: {  	s7 =	sld [smem:$0x3FAD]  }
0x2d: {  	s3 =	simm.s32 $0x108;
	s8 =	sld [smem:$0x3FAE]  }
0x2e: {  	s3 =	simm.s32 @!p0 $0x1082;
	s9 =	sld [smem:$0x3FAF]  }
0x2f: {  	lr =	sadd.s32 s0, s3;
	s0 =	sld [smem:$0x3FA6]  }
0x30: {  	s3 =	sld [smem:$0x3FA9]  }
0x31: {  	[smem:$0x3FB2] =	sst s10  }
0x32: {  	s10 =	sld [smem:$0x3FB0];
	_ =	sdelay $0x3  }
0x33: {  	p0 =	seq.s32 s10, $0x1;
	s10 =	sld [smem:$0x3FB2];
	_ =	sdelay $0x3  }
0x34: {  	[smem:$0x3FB2] =	sst s10  }
0x35: {  	s10 =	sld [smem:$0x3FB1];
	_ =	sdelay $0x3  }
0x36: {  	p1 =	seq.s32 s10, $0x1;
	s10 =	sld [smem:$0x3FB2];
	_ =	sdelay $0x3  }
0x37: {  	[smem:$0x3FB2] =	sst s10  }
0x38: {  	s10 =	sld [smem:$0x3FB3]  }
0x39: {  	_ = 	snop;
	(pc) =	sbr.ind lr, $3  }
0x3a: {  	_ = 	snop  }
0x3b: {  	_ = 	snop  }
0x3c: {  	p2 =	seq.s32 s10, $0x1;
	s10 =	sld [smem:$0x3FB2]  }
0x3d: {  	_ =	shalt  }
0x3e: {  	_ =	shalt  }
0x3f: {  	_ =	shalt  }
0x40: {  	_ =	shalt  }
0x41: {  	_ =	shalt  }
0x42: {  	_ =	shalt  }
0x43: {  	_ =	shalt  }
0x44: {  	_ =	shalt  }
0x45: {  	_ =	shalt  }
0x46: {  	_ =	shalt  }
0x47: {  	_ =	shalt  }
0x48: {  	_ =	shalt  }
0x49: {  	_ =	shalt  }
0x4a: {  	_ =	shalt  }
0x4b: {  	_ =	shalt  }
0x4c: {  	_ =	shalt  }
0x4d: {  	_ =	shalt  }
0x4e: {  	_ =	shalt  }
0x4f: {  	_ =	shalt  }
0x50: {  	_ =	shalt  }
0x51: {  	_ =	shalt  }
0x52: {  	_ =	shalt  }
0x53: {  	_ =	shalt  }
0x54: {  	_ =	shalt  }
0x55: {  	_ =	shalt  }
0x56: {  	_ =	shalt  }
0x57: {  	_ =	shalt  }
0x58: {  	_ =	shalt  }
0x59: {  	_ =	shalt  }
0x5a: {  	_ =	shalt  }
0x5b: {  	_ =	shalt  }
0x5c: {  	_ =	shalt  }
0x5d: {  	_ =	shalt  }
0x5e: {  	_ =	shalt  }
0x5f: {  	_ =	shalt  }
0x60: {  	_ =	shalt  }
0x61: {  	_ =	shalt  }
0x62: {  	_ =	shalt  }
0x63: {  	_ =	shalt  }
0x64: {  	_ =	shalt  }
0x65: {  	_ =	shalt  }
0x66: {  	_ =	shalt  }
0x67: {  	_ =	shalt  }
0x68: {  	_ =	shalt  }
0x69: {  	_ =	shalt  }
0x6a: {  	_ =	shalt  }
0x6b: {  	_ =	shalt  }
0x6c: {  	_ =	shalt  }
0x6d: {  	_ =	shalt  }
0x6e: {  	_ =	shalt  }
0x6f: {  	_ =	shalt  }
0x70: {  	_ =	shalt  }
0x71: {  	_ =	shalt  }
0x72: {  	_ =	shalt  }
0x73: {  	_ =	shalt  }
0x74: {  	_ =	shalt  }
0x75: {  	_ =	shalt  }
0x76: {  	_ =	shalt  }
0x77: {  	_ =	shalt  }
0x78: {  	_ =	shalt  }
0x79: {  	_ =	shalt  }
0x7a: {  	_ =	shalt  }
0x7b: {  	_ =	shalt  }
0x7c: {  	_ =	shalt  }
0x7d: {  	_ =	shalt  }
0x7e: {  	_ =	shalt  }
0x7f: {  	_ =	shalt  }
0x80: {  	_ =	shalt  }
0x81: {  	_ =	shalt  }
0x82: {  	_ =	shalt  }
0x83: {  	_ =	shalt  }
0x84: {  	_ =	shalt  }
0x85: {  	_ =	shalt  }
0x86: {  	_ =	shalt  }
0x87: {  	_ =	shalt  }
.Lfunc_end0:
.L_simem_size_0:
called_computation_lowered:
.L_overlay_start_0:
0x88: {  	s2 =	sld [smem:$0x3FD9]  }
0x89: {  	s3 =	sld [smem:$0x3FFE];
	_ =	sdelay $0x1  }
0x8a: {  	s1 =	srdreg.scid  }
0x8b: {  	s0 =	sand.u32 $0x1, s1  }
0x8c: {  	s17 =	sshll.u32 s0, $0xA;
	s2 =	sadd.s32 s3, s2  }
0x8d: {  	s2 =	sadd.s32 s2, s17  }
0x8e: {  	[smem:$0x3FBE] =	sst s2  }
0x8f: {  	_ = 	snop  }
0x90: {  	s2 =	sld [smem:$0x3FD0];
	(tm) =	ssettm $0x1  }
0x91: {  	s18 =	sld [smem:$0x3FFB];
	_ =	sdelay $0x3  }
0x92: {  	_ =	strace s18  }
0x93: {  	s3 =	sld [smem:$0x3FFC];
	_ =	sdelay $0x3  }
0x94: {  	_ =	strace s3  }
0x95: {  	s3 =	sld [smem:$0x3FFD];
	_ =	sdelay $0x3  }
0x96: {  	_ =	strace s3  }
0x97: {  	_ =	strace $0x8FFFFFFF  }
0x98: {  	s19 =	sld [smem:$0x3FDB];
	_ =	sdelay $0x1  }
0x99: {  	s4 =	simm.s32 $_scs_section_size  }
0x9a: {  	s5 =	simm.s32 $_size__tile_overlayer_lowered;
	s6 =	simm.s32 $_tile_overlayer_lowered  }
0x9b: {  	s22 =	simm.s32 $0x1BFF;
	s21 =	sshll.u32 s6, $0x1;
	s3 =	sadd.s32 s4, s19  }
0x9c: {  	s7 =	simm.s32 $0x0;
	s20 =	sshll.u32 s5, $0x1;
	s5 =	sadd.s32 s21, s3  }
0x9d: {  	[timem:s7], [sflag:s22] =	dma.local [hbm:s5], s20  }
0x9e: {  	_ =	swait.ge [sflag:s22], s20  }
0x9f: {  	s4 =	ssub.s32 $0x0, s20;
	[sflag:s22] =	ssyncset.done $0x0  }
0xa0: {  	[sflag:s22] =	ssyncadd.s32 s4;
	_ =	sdelay $0x1  }
0xa1: {  	s23 =	simm.s32 $0x1B8B  }
0xa2: {  	_ =	swait.ge [sflag:s23], $0x1  }
0xa3: {  	[sflag:s23] =	ssyncset.done $0x0  }
0xa4: {  	s25 =	simm.s32 $0x1B8E;
	s24 =	sld [smem:$0x3FFE];
	[sflag:s23] =	ssyncadd.s32 $0xFFFFFFFF  }
0xa5: {  	s26 =	simm.s32 $execute0_lowered;
	[smem:$0x3FD2] =	sst s25  }
0xa6: {  	s5 =	sshll.u32 s26, $0x1;
	_ =	strace $0x80000046;
	[dreg:$0x1] =	wrdreg $0xFFFFFFFF  }
0xa7: {  	s28 =	simm.s32 $_size_execute0_lowered;
	s3 =	sadd.s32 s3, s5;
	[dreg:$0x0] =	wrdreg $0x0  }
0xa8: {  	s5 =	sshll.u32 s28, $0x1;
	[dreg:$0x2] =	wrdreg s3  }
0xa9: {  	[dreg:$0x3] =	wrdreg s5  }
0xaa: {  	[dreg:$0x4] =	wrdreg $0xC0  }
0xab: {  	_ =	task [dreg:s7], $0x5FFFF  }
0xac: {  	[dreg:$0x1] =	wrdreg $0xFFFFFFFF  }
0xad: {  	[dreg:$0x0] =	wrdreg $0x60  }
0xae: {  	[dreg:$0x2] =	wrdreg s24  }
0xaf: {  	[dreg:$0x3] =	wrdreg s2  }
0xb0: {  	[dreg:$0x4] =	wrdreg $0x74C00  }
0xb1: {  	[dreg:$0x5] =	wrdreg $0x9  }
0xb2: {  	_ =	task.clear_ibuf [dreg:s7], $0x6FFFF;
	_ =	strace $0x90000046  }
0xb3: {  	s29 =	simm.s32 $0x9;
	_ =	strace $0x80000048  }
0xb4: {  	_ =	swait.ge [sflag:s29], $0x1  }
0xb5: {  	[sflag:s29] =	ssyncadd.s32 $0xFFFFFFFF  }
0xb6: {  	_ =	strace $0x90000048  }
0xb7: {  	_ =	sfence  }
0xb8: {  	s30 =	sld [smem:$0x0];
	_ =	sdelay $0x2  }
0xb9: {  	s31 =	sshll.u32 s1, $0xD;
	s1 =	sshrl.u32 s1, $0x2  }
0xba: {  	s3 =	sand.u32 $0x4000, s31;
	s1 =	sadd.s32 s1, s30  }
0xbb: {  	s0 =	sor.u32 s3, s0;
	s1 =	sshll.u32 s1, $0x11  }
0xbc: {  	s0 =	sor.u32 s1, s0  }
0xbd: {  	s0 =	sadd.s32 $0x8F2B, s0  }
0xbe: {  	[sflag:s0] =	ssyncadd.remote.s32 $0x1  }
0xbf: {  	_ =	sfence.sel $0xFFFF  }
0xc0: {  	[dreg:$0x0] =	wrdreg $0xFFFFFFFF;
	(pc) =	sbr.abs _section_cstart, $3  }
0xc1: {  	[dreg:$0x1] =	wrdreg $0xFFFFFFFF  }
0xc2: {  	_ =	task.clear_ibuf [dreg:s7], $0x2FFFF;
	_ =	strace $0x9FFFFFFF  }
0xc3: {  	(tm) =	ssettm $0x7FFFFFFF  }
tec
execute0_lowered:
.L_overlay_start_1:
0x0: {  	(tag) =	ssettag $0x1  }
0x1: {  	s0 =	rddreg [dreg:$0x0]  }
0x2: {  	s2 =	rddreg [dreg:$0x1]  }
0x3: {  	s3 =	rddreg [dreg:$0x2]  }
0x4: {  	s1 =	srdreg.scid;
	s10 =	stileid.u32;
	s5 =	simm.s32 $0x0  }
0x5: {  	s28 =	simm.s32 $0x40;
	s29 =	simm.s32 $0x1;
	s30 =	simm.s32 $0x7480  }
0x6: {  	s31 =	simm.s32 $0x0;
	s1 =	sand.u32 $0x1, s1;
	s4 =	smul.u32 $0x16800, s10  }
0x7: {  	[smem:$0x7FF] =	sst s5;
	s5 =	sadd.s32 $0x82000, s0;
	s7 =	sadd.s32 $0xAF600, s0  }
0x8: {  	s22 =	sadd.s32 $0xAF000, s0;
	s9 =	smul.u32 $0x5A000, s10;
	s8 =	sadd.s32 $0x200, s0  }
0x9: {  	s6 =	smul.u32 $0x168000, s1;
	_ =	strace $0x80000047;
	[dreg:$0x4] =	wrdreg s7  }
0xa: {  	[dreg:$0x5] =	wrdreg s22;
	s23 =	ssub.s32 $0x2, s1;
	s1 =	sshll.u32 s1, $0x4  }
0xb: {  	s22 =	simm.s32 $0x2;
	s24 =	sshrl.u32 s23, $0x1;
	s25 =	sshrl.u32 s9, $0x2  }
0xc: {  	s1 =	sor.u32 s10, s1;
	s9 =	sadd.s32 s4, s3;
	s6 =	sadd.s32 s4, s6  }
0xd: {  	s26 =	sadd.s32 s25, s3;
	s19 =	smul.u32 $0x2740, s1;
	s25 =	simm.s32 $0x5000  }
0xe: {  	s6 =	sshrl.u32 s6, $0x3;
	s7 =	sadd.s32 $0x2400, s26;
	s11 =	sadd.s32 $0x4800, s26  }
0xf: {  	s12 =	sadd.s32 $0x6C00, s26;
	s13 =	sadd.s32 $0x9000, s26;
	s14 =	sadd.s32 $0xB400, s26  }
0x10: {  	s15 =	sadd.s32 $0xD800, s26;
	s16 =	sadd.s32 $0xFC00, s26;
	s17 =	sadd.s32 $0x12000, s26  }
0x11: {  	s18 =	sadd.s32 $0x14400, s26;
	s26 =	simm.s32 $0x5040;
	s0 =	sadd.s32 s6, s0  }
0x12: {  	s6 =	ssub.s32 s23, s24;
	[dreg:$0x6] =	wrdreg s7;
	s23 =	simm.s32 $0x2800  }
0x13: {  	v0 =	vimm.f32 $0.0e+00;
	s24 =	simm.s32 $0x5080;
	s20 =	sadd.s32 $0xAFC00, s0;
	s21 =	smax.u32 s6, $0x1  }
.LBB2_1:
0x14: {  	s0 =	simm.s32 $0x0;
	s1 =	rddreg [dreg:$0x4]  }
0x15: {  	[tilespmem:s0], [sflag:$0x2] =	stream.linear.gather [hbm4b:s1+s0], $0x2800, $0x38;
	[tilespmem:$0x1DCC0] =	vst v63  }
0x16: {  	_ =	swait.ge [sflag:s22], $0x2800  }
0x17: {  	[sflag:s22] =	ssyncset.done $0x0  }
0x18: {  	s10 =	rddreg [dreg:$0x5];
	[sflag:s22] =	ssyncadd.s32 $0xFFFFD800  }
0x19: {  	[tilespmem:s23], [sflag:$0x2] =	stream.linear.gather [hbm4b:s10+s0], $0x2800, $0x38;
	[tilespmem:$0x1DCC0] =	vst v63  }
0x1a: {  	_ =	swait.ge [sflag:s22], $0x2800  }
0x1b: {  	[sflag:s22] =	ssyncset.done $0x0  }
0x1c: {  	s1 =	simm.s32 $0x240;
	s0 =	simm.s32 $0x0;
	[sflag:s22] =	ssyncadd.s32 $0xFFFFD800  }
.LBB2_2:
0x1d: {  	p0 =	sne.s32 s1, $0x8DC0;
	[tilespmem:s0+$0x5100] =	vst v0  }
0x1e: {  	[tilespmem:s0+$0x5080] =	vst v0  }
0x1f: {  	[tilespmem:s0+$0x5090] =	vst v0  }
0x20: {  	[tilespmem:s0+$0x50A0] =	vst v0  }
.Ltmp0:
0x21: {  	[tilespmem:s0+$0x50B0] =	vst v0;
	(pc) =	sbr.rel @p0 .LBB2_2-.Ltmp0, $4  }
0x22: {  	[tilespmem:s0+$0x50C0] =	vst v0  }
0x23: {  	[tilespmem:s0+$0x50D0] =	vst v0  }
0x24: {  	[tilespmem:s0+$0x50E0] =	vst v0  }
0x25: {  	[tilespmem:s0+$0x50F0] =	vst v0;
	s0 =	sshra.s32 s1, $0x2;
	s1 =	sadd.s32 $0x240, s1  }
0x26: {  	[tilespmem:s0+$0x5100] =	vst v0  }
0x27: {  	[tilespmem:s0+$0x5080] =	vst v0  }
0x28: {  	[tilespmem:s0+$0x5090] =	vst v0  }
0x29: {  	[tilespmem:s0+$0x50A0] =	vst v0  }
0x2a: {  	[tilespmem:s0+$0x50B0] =	vst v0  }
0x2b: {  	[tilespmem:s0+$0x50C0] =	vst v0  }
0x2c: {  	[tilespmem:s0+$0x50D0] =	vst v0  }
0x2d: {  	[tilespmem:s0+$0x50E0] =	vst v0  }
0x2e: {  	[tilespmem:s0+$0x50F0] =	vst v0  }
0x2f: {  	[spmem:s9] =	stream.linear.scatter [tilespmem:s24], [sflag:$0x2], $0x2400, $0x38;
	[tilespmem:$0x1DCC0] =	vst v63  }
0x30: {  	_ =	swait.ge [sflag:s22], $0x2400  }
0x31: {  	[sflag:s22] =	ssyncset.done $0x0  }
0x32: {  	s10 =	rddreg [dreg:$0x6];
	[sflag:s22] =	ssyncadd.s32 $0xFFFFDC00  }
0x33: {  	[spmem:s10] =	stream.linear.scatter [tilespmem:s24], [sflag:$0x2], $0x2400, $0x38;
	[tilespmem:$0x1DCC0] =	vst v63  }
0x34: {  	_ =	swait.ge [sflag:s22], $0x2400  }
0x35: {  	[sflag:s22] =	ssyncset.done $0x0  }
0x36: {  	[sflag:s22] =	ssyncadd.s32 $0xFFFFDC00  }
0x37: {  	[spmem:s11] =	stream.linear.scatter [tilespmem:s24], [sflag:$0x2], $0x2400, $0x38;
	[tilespmem:$0x1DCC0] =	vst v63  }
0x38: {  	_ =	swait.ge [sflag:s22], $0x2400  }
0x39: {  	[sflag:s22] =	ssyncset.done $0x0  }
0x3a: {  	[sflag:s22] =	ssyncadd.s32 $0xFFFFDC00  }
0x3b: {  	[spmem:s12] =	stream.linear.scatter [tilespmem:s24], [sflag:$0x2], $0x2400, $0x38;
	[tilespmem:$0x1DCC0] =	vst v63  }
0x3c: {  	_ =	swait.ge [sflag:s22], $0x2400  }
0x3d: {  	[sflag:s22] =	ssyncset.done $0x0  }
0x3e: {  	[sflag:s22] =	ssyncadd.s32 $0xFFFFDC00  }
0x3f: {  	[spmem:s13] =	stream.linear.scatter [tilespmem:s24], [sflag:$0x2], $0x2400, $0x38;
	[tilespmem:$0x1DCC0] =	vst v63  }
0x40: {  	_ =	swait.ge [sflag:s22], $0x2400  }
0x41: {  	[sflag:s22] =	ssyncset.done $0x0  }
0x42: {  	[sflag:s22] =	ssyncadd.s32 $0xFFFFDC00  }
0x43: {  	[spmem:s14] =	stream.linear.scatter [tilespmem:s24], [sflag:$0x2], $0x2400, $0x38;
	[tilespmem:$0x1DCC0] =	vst v63  }
0x44: {  	_ =	swait.ge [sflag:s22], $0x2400  }
0x45: {  	[sflag:s22] =	ssyncset.done $0x0  }
0x46: {  	[sflag:s22] =	ssyncadd.s32 $0xFFFFDC00  }
0x47: {  	[spmem:s15] =	stream.linear.scatter [tilespmem:s24], [sflag:$0x2], $0x2400, $0x38;
	[tilespmem:$0x1DCC0] =	vst v63  }
0x48: {  	_ =	swait.ge [sflag:s22], $0x2400  }
0x49: {  	[sflag:s22] =	ssyncset.done $0x0  }
0x4a: {  	[sflag:s22] =	ssyncadd.s32 $0xFFFFDC00  }
0x4b: {  	[spmem:s16] =	stream.linear.scatter [tilespmem:s24], [sflag:$0x2], $0x2400, $0x38;
	[tilespmem:$0x1DCC0] =	vst v63  }
0x4c: {  	_ =	swait.ge [sflag:s22], $0x2400  }
0x4d: {  	[sflag:s22] =	ssyncset.done $0x0  }
0x4e: {  	[sflag:s22] =	ssyncadd.s32 $0xFFFFDC00  }
0x4f: {  	[spmem:s17] =	stream.linear.scatter [tilespmem:s24], [sflag:$0x2], $0x2400, $0x38;
	[tilespmem:$0x1DCC0] =	vst v63  }
0x50: {  	_ =	swait.ge [sflag:s22], $0x2400  }
0x51: {  	[sflag:s22] =	ssyncset.done $0x0  }
0x52: {  	[sflag:s22] =	ssyncadd.s32 $0xFFFFDC00  }
0x53: {  	[spmem:s18] =	stream.linear.scatter [tilespmem:s24], [sflag:$0x2], $0x2400, $0x38;
	[tilespmem:$0x1DCC0] =	vst v63  }
0x54: {  	_ =	swait.ge [sflag:s22], $0x2400  }
0x55: {  	[sflag:s22] =	ssyncset.done $0x0  }
0x56: {  	[sflag:s22] =	ssyncadd.s32 $0xFFFFDC00  }
0x57: {  	s0 =	simm.s32 $0x0;
	s1 =	simm.s32 $0x0;
	[bflag:$0x0] =	sbarrier.arrive $0xFFFF  }
.LBB2_4:
0x58: {  	s4 =	sshll.u32 s1, $0x6  }
0x59: {  	s4 =	sadd.s32 s19, s4  }
0x5a: {  	s6 =	sshrl.u32 s4, $0x3  }
0x5b: {  	s7 =	sadd.s32 s2, s6  }
0x5c: {  	[tilespmem:s25], [sflag:$0x2] =	stream.linear.gather [hbm4b:s7+s0], $0x40, $0x38;
	[tilespmem:$0x1DCC0] =	vst v63  }
0x5d: {  	_ =	swait.ge [sflag:s22], $0x40  }
0x5e: {  	[sflag:s22] =	ssyncset.done $0x0  }
0x5f: {  	s6 =	sadd.s32 s8, s6;
	[sflag:s22] =	ssyncadd.s32 $0xFFFFFFC0  }
0x60: {  	[tilespmem:s26], [sflag:$0x2] =	stream.linear.gather [hbm4b:s6+s0], $0x40, $0x38;
	[tilespmem:$0x1DCC0] =	vst v63  }
0x61: {  	_ =	swait.ge [sflag:s22], $0x40  }
0x62: {  	[sflag:s22] =	ssyncset.done $0x0  }
0x63: {  	[sflag:s22] =	ssyncadd.s32 $0xFFFFFFC0  }
0x64: {  	[tilespmem:s24], [sflag:$0x1] =	stream.indirect.gather [hbm4b:s5+s28], $0x90, s25, s28, $0xb8;
	[tilespmem:$0x1DCC0] =	vst v63  }
0x65: {  	v1 =	vld [tilespmem:$0x5000]  }
0x66: {  	v2 =	vld [tilespmem:$0x5040];
	_ =	sdelay $0x6  }
0x67: {  	v1 =	vld.idx.msk [tilespmem:v1+s0+$0x0], $0xffff  }
0x68: {  	v2 =	vld.idx.msk [tilespmem:v2+s23+$0x0], $0xffff;
	_ =	sdelay $0x4  }
0x69: {  	v1 =	vadd.f32 v2, v1;
	_ =	sdelay $0x1  }
0x6a: {  	v2 =	vmul.f32 $2.000000030e-01, v1;
	_ =	sdelay $0x1  }
0x6b: {  	v1 =	vmax.f32 v1, v2  }
0x6c: {  	v1 =	vmul.f32 $1.442695020e+00, v1;
	_ =	sdelay $0x1  }
0x6d: {  	(erf) = vpow2.f32 v1;
	_ =	sdelay $0x3  }
0x6e: {  	v1 =	vld [tilespmem:$0x5010]  }
0x6f: {  	v2 =	vld [tilespmem:$0x5050];
	_ =	sdelay $0x3  }
0x70: {  	p0 =	slt.u32 s4, $0x4E200;
	v3 =	vpop (erf)  }
0x71: {  	v3 =	vpsel !p0, $0x0, v3  }
0x72: {  	[tilespmem:$0x7480] =	vst v3  }
0x73: {  	v1 =	vld.idx.msk [tilespmem:v1+s0+$0x0], $0xffff  }
0x74: {  	v2 =	vld.idx.msk [tilespmem:v2+s23+$0x0], $0xffff;
	_ =	sdelay $0x4  }
0x75: {  	v1 =	vadd.f32 v2, v1;
	_ =	sdelay $0x1  }
0x76: {  	v2 =	vmul.f32 $2.000000030e-01, v1;
	_ =	sdelay $0x1  }
0x77: {  	v1 =	vmax.f32 v1, v2  }
0x78: {  	v1 =	vmul.f32 $1.442695020e+00, v1;
	_ =	sdelay $0x1  }
0x79: {  	(erf) = vpow2.f32 v1;
	_ =	sdelay $0x3  }
0x7a: {  	v1 =	vld [tilespmem:$0x5020]  }
0x7b: {  	v2 =	vld [tilespmem:$0x5060];
	_ =	sdelay $0x2  }
0x7c: {  	s7 =	sor.u32 $0x10, s4  }
0x7d: {  	p4 =	slt.u32 s7, $0x4E200;
	v3 =	vpop (erf)  }
0x7e: {  	v3 =	vpsel !p4, $0x0, v3  }
0x7f: {  	[tilespmem:$0x7490] =	vst v3  }
0x80: {  	v1 =	vld.idx.msk [tilespmem:v1+s0+$0x0], $0xffff  }
0x81: {  	v2 =	vld.idx.msk [tilespmem:v2+s23+$0x0], $0xffff;
	_ =	sdelay $0x4  }
0x82: {  	v1 =	vadd.f32 v2, v1;
	_ =	sdelay $0x1  }
0x83: {  	v2 =	vmul.f32 $2.000000030e-01, v1;
	_ =	sdelay $0x1  }
0x84: {  	v1 =	vmax.f32 v1, v2  }
0x85: {  	v1 =	vmul.f32 $1.442695020e+00, v1;
	_ =	sdelay $0x1  }
0x86: {  	(erf) = vpow2.f32 v1;
	_ =	sdelay $0x3  }
0x87: {  	v1 =	vld [tilespmem:$0x5030]  }
0x88: {  	v2 =	vld [tilespmem:$0x5070];
	_ =	sdelay $0x2  }
0x89: {  	s10 =	sor.u32 $0x20, s4  }
0x8a: {  	p5 =	slt.u32 s10, $0x4E200;
	v3 =	vpop (erf)  }
0x8b: {  	v3 =	vpsel !p5, $0x0, v3  }
0x8c: {  	[tilespmem:$0x74A0] =	vst v3  }
0x8d: {  	v1 =	vld.idx.msk [tilespmem:v1+s0+$0x0], $0xffff  }
0x8e: {  	v2 =	vld.idx.msk [tilespmem:v2+s23+$0x0], $0xffff;
	_ =	sdelay $0x4  }
0x8f: {  	v1 =	vadd.f32 v2, v1;
	_ =	sdelay $0x1  }
0x90: {  	v2 =	vmul.f32 $2.000000030e-01, v1;
	_ =	sdelay $0x1  }
0x91: {  	v1 =	vmax.f32 v1, v2  }
0x92: {  	v1 =	vmul.f32 $1.442695020e+00, v1;
	_ =	sdelay $0x1  }
0x93: {  	(erf) = vpow2.f32 v1;
	_ =	sdelay $0x7  }
0x94: {  	s4 =	sor.u32 $0x30, s4  }
0x95: {  	p6 =	slt.u32 s4, $0x4E200;
	v1 =	vpop (erf)  }
0x96: {  	v1 =	vpsel !p6, $0x0, v1  }
0x97: {  	[tilespmem:$0x74B0] =	vst v1  }
0x98: {  	_ =	swait.ge [sflag:s29], $0x2400  }
0x99: {  	[sflag:s29] =	ssyncset.done $0x0  }
0x9a: {  	s4 =	simm.s32 $0x50C0;
	v1 =	vmov s0;
	[sflag:s29] =	ssyncadd.s32 $0xFFFFDC00  }
0x9b: {  	v6 =	vld [tilespmem:s4+$0xFFFFFFC0]  }
0x9c: {  	v9 =	vld [tilespmem:s4+$0x30]  }
0x9d: {  	v7 =	vld [tilespmem:s4+$0x40]  }
0x9e: {  	v11 =	vld [tilespmem:s4+$0xFFFFFFE0]  }
0x9f: {  	v2 =	vld.idx.msk [tilespmem:v1+s30+$0x0], $0xffff  }
0xa0: {  	v3 =	vld [tilespmem:s4+$0x20]  }
0xa1: {  	v4 =	vld [tilespmem:s4+$0xFFFFFFD0]  }
0xa2: {  	v5 =	vld [tilespmem:s4+$0x10]  }
0xa3: {  	v1 =	vld [tilespmem:s4+$0xFFFFFFF0]  }
0xa4: {  	v10 =	vmul.f32 v6, v2;
	v8 =	vmul.f32 v7, v2;
	v6 =	vld [tilespmem:s4+$0x0]  }
0xa5: {  	s7 =	simm.s32 $0x50C0;
	s6 =	simm.s32 $0x1;
	v7 =	vmul.f32 v11, v2;
	v9 =	vmul.f32 v9, v2  }
.LBB2_5:
0xa6: {  	p0 =	sne.s32 s6, $0x3F  }
0xa7: {  	[tilespmem:s4+$0xFFFFFFC0] =	vst v10;
	v4 =	vmul.f32 v4, v2;
	v3 =	vmul.f32 v3, v2;
	s7 =	sadd.s32 $0x90, s7;
	s10 =	smov.u32 s6;
	s6 =	sadd.s32 $0x1, s6  }
0xa8: {  	v10 =	vmul.f32 v1, v2;
	v1 =	vmul.f32 v5, v2;
	[tilespmem:s4+$0x40] =	vst v8  }
0xa9: {  	v2 =	vmul.f32 v6, v2;
	[tilespmem:s4+$0x30] =	vst v9  }
0xaa: {  	[tilespmem:s4+$0xFFFFFFE0] =	vst v7  }
0xab: {  	v5 =	vmov s10;
	[tilespmem:s4+$0x10] =	vst v1  }
0xac: {  	v1 =	vld [tilespmem:s7+$0xFFFFFFF0];
	[tilespmem:s4+$0x0] =	vst v2  }
0xad: {  	v7 =	vld [tilespmem:s7+$0xFFFFFFC0];
	[tilespmem:s4+$0xFFFFFFF0] =	vst v10  }
0xae: {  	v9 =	vld [tilespmem:s7+$0x30];
	[tilespmem:s4+$0x20] =	vst v3  }
0xaf: {  	v8 =	vld [tilespmem:s7+$0x40];
	[tilespmem:s4+$0xFFFFFFD0] =	vst v4;
	s4 =	smov.u32 s7  }
0xb0: {  	v2 =	vld.idx.msk [tilespmem:v5+s30+$0x0], $0xffff  }
0xb1: {  	v11 =	vld [tilespmem:s7+$0xFFFFFFE0]  }
0xb2: {  	v3 =	vld [tilespmem:s7+$0x20]  }
.Ltmp1:
0xb3: {  	v4 =	vld [tilespmem:s7+$0xFFFFFFD0];
	(pc) =	sbr.rel @p0 .LBB2_5-.Ltmp1, $4  }
0xb4: {  	v5 =	vld [tilespmem:s7+$0x10]  }
0xb5: {  	v6 =	vld [tilespmem:s7+$0x0]  }
0xb6: {  	v10 =	vmul.f32 v7, v2;
	v8 =	vmul.f32 v8, v2  }
0xb7: {  	v9 =	vmul.f32 v9, v2;
	v7 =	vmul.f32 v11, v2  }
0xb8: {  	[tilespmem:s4+$0xFFFFFFC0] =	vst v10  }
0xb9: {  	[tilespmem:s4+$0x40] =	vst v8  }
0xba: {  	v1 =	vmul.f32 v1, v2;
	[tilespmem:s4+$0x30] =	vst v9  }
0xbb: {  	v3 =	vmul.f32 v3, v2;
	[tilespmem:s4+$0xFFFFFFE0] =	vst v7  }
0xbc: {  	v5 =	vmul.f32 v5, v2;
	[tilespmem:s4+$0xFFFFFFF0] =	vst v1  }
0xbd: {  	v6 =	vmul.f32 v6, v2;
	[tilespmem:s4+$0x20] =	vst v3  }
0xbe: {  	s1 =	sadd.s32 $0x1, s1;
	v2 =	vmul.f32 v4, v2;
	[tilespmem:s4+$0x10] =	vst v5  }
0xbf: {  	p0 =	sne.s32 s1, $0x9D;
	[tilespmem:s4+$0x0] =	vst v6  }
.Ltmp2:
0xc0: {  	[tilespmem:s4+$0xFFFFFFD0] =	vst v2;
	(pc) =	sbr.rel @p0 .LBB2_4-.Ltmp2, $4  }
0xc1: {  	[spmem:s3] =	stream.indirect.scatter.add.f32 [tilespmem:s24], [sflag:$0x2], $0x90, s26, s28, $0xb8;
	[tilespmem:$0x1DCC0] =	vst v63  }
0xc2: {  	_ =	swait.ge [sflag:s22], $0x2400  }
0xc3: {  	[sflag:s22] =	ssyncset.done $0x0  }
0xc4: {  	[sflag:s22] =	ssyncadd.s32 $0xFFFFDC00  }
0xc5: {  	s0 =	stileid.u32;
	s31 =	sadd.s32 $0x1, s31  }
0xc6: {  	[bflag:$0x0] =	sbarrier.arrive $0xFFFF;
	s0 =	sshll.u32 s0, $0x6;
	p0 =	sne.s32 s31, s21  }
.Ltmp3:
0xc7: {  	s1 =	sshrl.u32 s9, $0x3;
	s0 =	sor.u32 $0x1C02, s0;
	(pc) =	sbr.rel @p0 .LBB2_1-.Ltmp3, $4  }
0xc8: {  	[hbm:s20], [sflag:s0] =	dma.local [spmem:s1], $0x2D00  }
0xc9: {  	_ =	swait.ge [sflag:s22], $0x2D00  }
0xca: {  	[sflag:s22] =	ssyncset.done $0x0  }
0xcb: {  	[sflag:s22] =	ssyncadd.s32 $0xFFFFD300  }
0xcc: {  	_ =	sfence.sel $0x180000  }
0xcd: {  	[bflag:$0x0] =	sbarrier.arrive $0xFFFF  }
0xce: {  	_ =	strace $0x90000047  }
0xcf: {  	s0 =	stileid.u32;
	[bflag:$0x2] =	sbarrier.arrive $0xFFFF  }
0xd0: {  	p0 =	sne.s32 s0, $0x0;
	s0 =	rddreg [dreg:$0x3]  }
0xd1: {  	s0 =	sadd.s32 @!p0 $0x100000, s0  }
0xd2: {  	[sflag:s0] =	ssyncadd.tile.s32 @!p0 $0x1;
	_ =	shalt  }
.Lfunc_end2:
_tile_overlayer_lowered:
.L_overlay_start_2:
0xd3: {  	(tag) =	ssettag $0x2  }
0xd4: {  	s0 =	rddreg [dreg:$0x0];
	s2 =	stileid.u32  }
0xd5: {  	s1 =	rddreg [dreg:$0x1];
	p0 =	sne.s32 s2, $0x0  }
0xd6: {  	s3 =	rddreg [dreg:$0x2];
	[bflag:$0x3] =	sbarrier.arrive $0xFFFF;
	s2 =	simm.s32 @!p0 $0x1C02  }
0xd7: {  	[timem:s3], [sflag:s2] =	dma.local @!p0 [hbm:s0], s1  }
0xd8: {  	s0 =	simm.s32 @!p0 $0x2  }
0xd9: {  	_ =	swait.ge @!p0 [sflag:s0], s1  }
0xda: {  	s1 =	ssub.s32 @!p0 $0x0, s1;
	[sflag:s0] =	ssyncset.done @!p0 $0x0  }
0xdb: {  	[sflag:s0] =	ssyncadd.s32 @!p0 s1  }
0xdc: {  	[bflag:$0x3] =	sbarrier.arrive $0xFFFF  }
0xdd: {  	_ =	shalt  }

</sc_bundles>
